<compile_context>
chip_gen: v7x
topology: tpu7x:2x2x1
jax: 0.10.2.dev20260603
libtpu: 0.0.44.dev20260713+nightly
codegen_flags: <defaults>
</compile_context>

<pallas_src>
import jax
import jax.numpy as jnp
from jax import lax
from jax.experimental import pallas as pl
from jax.experimental.pallas import tpu as pltpu
from jax.experimental.pallas import tpu_sc as plsc

BATCH = 16384
DIM = 2048
NC = 2
NS = 16
NW = NC * NS
ROWS_PER_W = BATCH // NW
R = 8
NCHUNK = ROWS_PER_W // R
L = 16
NGRP = DIM // L
UNROLL = 4


def _shuffle_body(x_hbm, perm_hbm, out_hbm, ld_hbm,
                  perm_v, zeros_v, in0, in1, in2, out0, out1, out2,
                  si0, si1, si2, so0, so1, so2, sz):
    wid = lax.axis_index("s") * NC + lax.axis_index("c")
    base = wid * ROWS_PER_W

    def in_cp(c, buf, sem):
        return pltpu.make_async_copy(
            x_hbm.at[pl.ds(base + c * R, R), :], buf, sem)

    def out_cp(c, buf, sem):
        return pltpu.make_async_copy(
            buf, out_hbm.at[pl.ds(base + c * R, R), :], sem)

    ins = [(in0, si0), (in1, si1), (in2, si2)]
    outs = [(out0, so0), (out1, so1), (out2, so2)]
    for k in range(3):
        in_cp(k, ins[k][0], ins[k][1]).start()
    pltpu.sync_copy(perm_hbm, perm_v)

    @plsc.parallel_loop(0, ROWS_PER_W // L, unroll=4)
    def _z(i):
        zeros_v[pl.ds(i * L, L)] = jnp.zeros((L,), jnp.float32)
    zcp = pltpu.make_async_copy(zeros_v, ld_hbm.at[pl.ds(base, ROWS_PER_W)], sz)
    zcp.start()

    def permute(in_buf, out_buf):
        @plsc.parallel_loop(0, NGRP, unroll=UNROLL)
        def _p(jg):
            p16 = perm_v[pl.ds(jg * L, L)]
            for r in range(R):
                r16 = jnp.full((L,), r, dtype=jnp.int32)
                out_buf[r, pl.ds(jg * L, L)] = plsc.load_gather(
                    in_buf, [r16, p16])

    def one_chunk(c, k):
        ib, isem = ins[k]
        ob, osem = outs[k]
        in_cp(c, ib, isem).wait()
        @pl.when(c >= 3)
        def _():
            out_cp(c - 3, ob, osem).wait()
        permute(ib, ob)
        @pl.when(c + 3 < NCHUNK)
        def _():
            in_cp(c + 3, ib, isem).start()
        out_cp(c, ob, osem).start()

    def tri_body(cc, carry):
        for k in range(3):
            one_chunk(3 * cc + k, k)
        return carry

    lax.fori_loop(0, NCHUNK // 3, tri_body, 0)
    one_chunk(NCHUNK - 1, (NCHUNK - 1) % 3)
    zcp.wait()
    out_cp(NCHUNK - 3, outs[(NCHUNK - 3) % 3][0], outs[(NCHUNK - 3) % 3][1]).wait()
    out_cp(NCHUNK - 2, outs[(NCHUNK - 2) % 3][0], outs[(NCHUNK - 2) % 3][1]).wait()
    out_cp(NCHUNK - 1, outs[(NCHUNK - 1) % 3][0], outs[(NCHUNK - 1) % 3][1]).wait()


def kernel(x, perm):
    perm32 = perm.astype(jnp.int32)
    mesh = plsc.VectorSubcoreMesh(core_axis_name="c", subcore_axis_name="s")
    f = pl.kernel(
        _shuffle_body,
        out_type=(
            jax.ShapeDtypeStruct((BATCH, DIM), jnp.float32),
            jax.ShapeDtypeStruct((BATCH,), jnp.float32),
        ),
        mesh=mesh,
        scratch_types=[
            pltpu.VMEM((DIM,), jnp.int32),
            pltpu.VMEM((ROWS_PER_W,), jnp.float32),
            pltpu.VMEM((R, DIM), jnp.float32),
            pltpu.VMEM((R, DIM), jnp.float32),
            pltpu.VMEM((R, DIM), jnp.float32),
            pltpu.VMEM((R, DIM), jnp.float32),
            pltpu.VMEM((R, DIM), jnp.float32),
            pltpu.VMEM((R, DIM), jnp.float32),
            pltpu.SemaphoreType.DMA,
            pltpu.SemaphoreType.DMA,
            pltpu.SemaphoreType.DMA,
            pltpu.SemaphoreType.DMA,
            pltpu.SemaphoreType.DMA,
            pltpu.SemaphoreType.DMA,
            pltpu.SemaphoreType.DMA,
        ],
        compiler_params=pltpu.CompilerParams(needs_layout_passes=False),
    )
    out, log_det = f(x, perm32)
    return out, log_det

# --- scband reference (transcript-rebuilt; emitter-appended) ---
"""Pipeline reference for scband-shuffle-1451698946355 (READ-ONLY COPY).

The authoritative reference and input builder live on the scoring server;
editing this copy changes nothing except your own understanding.
"""

import jax, jax.numpy as jnp
import numpy as np

INPUT_DIM = 2048
BATCH = 16384

def setup_inputs(seed: int = 0) -> dict:
    key = jax.random.key(seed)
    kx, kp = jax.random.split(key)
    x = jax.random.normal(kx, (BATCH, INPUT_DIM), dtype=jnp.float32)
    # perm is a fixed (non-learned) buffer created at module init: torch.randperm(input_dim)
    perm = jax.random.permutation(kp, INPUT_DIM).astype(jnp.int64)
    return {"x": x, "perm": perm}

def reference(x, perm):
    # Faithful translation of Shuffle.forward:
    #   output = x[:, perm]; log_det = zeros(batch)
    output = jnp.take(x, perm, axis=1)
    log_det = jnp.zeros(x.shape[0], dtype=x.dtype)
    return (output, log_det)

if __name__ == "__main__":
    import jax
    _d = setup_inputs()
    print(jax.jit(kernel)(*tuple(_d.values())))

</pallas_src>

<mosaic_0001>
#map = affine_map<(d0, d1) -> (0, 0)>
#map1 = affine_map<(d0, d1) -> (0)>
module attributes {stable_mosaic.version = 14 : i64} {
  func.func @_shuffle_body(%arg0: i32, %arg1: i32, %arg2: memref<16384x2048xf32, #tpu.memory_space<hbm>>, %arg3: memref<2048xi32, #tpu.memory_space<hbm>>, %arg4: memref<16384x2048xf32, #tpu.memory_space<hbm>>, %arg5: memref<16384xf32, #tpu.memory_space<hbm>>, %arg6: memref<2048xi32, #tpu.memory_space<vmem>>, %arg7: memref<512xf32, #tpu.memory_space<vmem>>, %arg8: memref<8x2048xf32, #tpu.memory_space<vmem>>, %arg9: memref<8x2048xf32, #tpu.memory_space<vmem>>, %arg10: memref<8x2048xf32, #tpu.memory_space<vmem>>, %arg11: memref<8x2048xf32, #tpu.memory_space<vmem>>, %arg12: memref<8x2048xf32, #tpu.memory_space<vmem>>, %arg13: memref<8x2048xf32, #tpu.memory_space<vmem>>, %arg14: memref<!tpu.dma_semaphore, #tpu.memory_space<semaphore_mem>>, %arg15: memref<!tpu.dma_semaphore, #tpu.memory_space<semaphore_mem>>, %arg16: memref<!tpu.dma_semaphore, #tpu.memory_space<semaphore_mem>>, %arg17: memref<!tpu.dma_semaphore, #tpu.memory_space<semaphore_mem>>, %arg18: memref<!tpu.dma_semaphore, #tpu.memory_space<semaphore_mem>>, %arg19: memref<!tpu.dma_semaphore, #tpu.memory_space<semaphore_mem>>, %arg20: memref<!tpu.dma_semaphore, #tpu.memory_space<semaphore_mem>>) attributes {dimension_semantics = [#tpu.dimension_semantics<core_parallel>, #tpu.dimension_semantics<subcore_parallel>], iteration_bounds = array<i64: 2, 16>, scalar_prefetch = 0 : i64, scratch_operands = 15 : i64, tpu.core_type = #tpu.core_type<sc_vector_subcore>, window_params = [{transform_indices = #map}, {transform_indices = #map1}, {transform_indices = #map}, {transform_indices = #map1}]} {
    %mul3A = arith.constant 2 : i32
    %mul3A_0 = arith.muli %arg1, %mul3A : i32
    %add3A = arith.addi %mul3A_0, %arg0 : i32
    %mul3A_1 = arith.constant 512 : i32
    %mul3A_2 = arith.muli %add3A, %mul3A_1 : i32
    %add3A_3 = arith.constant 0 : i32
    %add3A_4 = arith.addi %mul3A_2, %add3A_3 : i32
    %dma_start3A = arith.constant 0 : i32
    %dma_start3A_5 = tpu.memref_slice %arg2[%add3A_4, %dma_start3A] : memref<16384x2048xf32, #tpu.memory_space<hbm>> -> memref<8x2048xf32, #tpu.memory_space<hbm>>
    %dma_start3A_6 = arith.constant 0 : i32
    %dma_start3A_7 = tpu.memref_slice %arg2[%add3A_4, %dma_start3A_6] : memref<16384x2048xf32, #tpu.memory_space<hbm>> -> memref<8x2048xf32, #tpu.memory_space<hbm>>
    tpu.enqueue_dma source(%dma_start3A_7 : memref<8x2048xf32, #tpu.memory_space<hbm>>) target(%arg8 : memref<8x2048xf32, #tpu.memory_space<vmem>>) target_semaphore(%arg14 : memref<!tpu.dma_semaphore, #tpu.memory_space<semaphore_mem>>)
    %add3A_8 = arith.constant 8 : i32
    %add3A_9 = arith.addi %mul3A_2, %add3A_8 : i32
    %dma_start3A_10 = arith.constant 0 : i32
    %dma_start3A_11 = tpu.memref_slice %arg2[%add3A_9, %dma_start3A_10] : memref<16384x2048xf32, #tpu.memory_space<hbm>> -> memref<8x2048xf32, #tpu.memory_space<hbm>>
    %dma_start3A_12 = arith.constant 0 : i32
    %dma_start3A_13 = tpu.memref_slice %arg2[%add3A_9, %dma_start3A_12] : memref<16384x2048xf32, #tpu.memory_space<hbm>> -> memref<8x2048xf32, #tpu.memory_space<hbm>>
    tpu.enqueue_dma source(%dma_start3A_13 : memref<8x2048xf32, #tpu.memory_space<hbm>>) target(%arg9 : memref<8x2048xf32, #tpu.memory_space<vmem>>) target_semaphore(%arg15 : memref<!tpu.dma_semaphore, #tpu.memory_space<semaphore_mem>>)
    %add3A_14 = arith.constant 16 : i32
    %add3A_15 = arith.addi %mul3A_2, %add3A_14 : i32
    %dma_start3A_16 = arith.constant 0 : i32
    %dma_start3A_17 = tpu.memref_slice %arg2[%add3A_15, %dma_start3A_16] : memref<16384x2048xf32, #tpu.memory_space<hbm>> -> memref<8x2048xf32, #tpu.memory_space<hbm>>
    %dma_start3A_18 = arith.constant 0 : i32
    %dma_start3A_19 = tpu.memref_slice %arg2[%add3A_15, %dma_start3A_18] : memref<16384x2048xf32, #tpu.memory_space<hbm>> -> memref<8x2048xf32, #tpu.memory_space<hbm>>
    tpu.enqueue_dma source(%dma_start3A_19 : memref<8x2048xf32, #tpu.memory_space<hbm>>) target(%arg10 : memref<8x2048xf32, #tpu.memory_space<vmem>>) target_semaphore(%arg16 : memref<!tpu.dma_semaphore, #tpu.memory_space<semaphore_mem>>)
    "tpu.region"() ({
      %run_scoped3A = tpu.sem_alloc : memref<!tpu.dma_semaphore, #tpu.memory_space<semaphore_mem>>
      tpu.enqueue_dma source(%arg3 : memref<2048xi32, #tpu.memory_space<hbm>>) target(%arg6 : memref<2048xi32, #tpu.memory_space<vmem>>) target_semaphore(%run_scoped3A : memref<!tpu.dma_semaphore, #tpu.memory_space<semaphore_mem>>)
      tpu.wait_dma2 semaphore(%run_scoped3A : memref<!tpu.dma_semaphore, #tpu.memory_space<semaphore_mem>>) src(%arg3 : memref<2048xi32, #tpu.memory_space<hbm>>) dst(%arg6 : memref<2048xi32, #tpu.memory_space<vmem>>)
      tpu.yield
    }) : () -> ()
    %parallel_loop3A = arith.constant 0 : i32
    %parallel_loop3A_20 = arith.constant 32 : i32
    %parallel_loop3A_21 = arith.constant 1 : i32
    scf.for %parallel_loop3A_69 = %parallel_loop3A to %parallel_loop3A_20 step %parallel_loop3A_21  : i32 {
      %parallel_loop3A_70 = arith.constant 0.000000e+00 : f32
      %parallel_loop3A_71 = vector.broadcast %parallel_loop3A_70 : f32 to vector<16xf32>
      %parallel_loop3A_72 = arith.constant 16 : i32
      %parallel_loop3A_73 = arith.muli %parallel_loop3A_69, %parallel_loop3A_72 : i32
      %parallel_loop3A_74 = arith.index_cast %parallel_loop3A_73 : i32 to index
      %parallel_loop3A_75 = tpu.vector_load %arg7[%parallel_loop3A_74] {strides = array<i32>} : memref<512xf32, #tpu.memory_space<vmem>>, vector<16xf32>,
      tpu.vector_store %arg7[%parallel_loop3A_74], %parallel_loop3A_71 {strides = array<i32>} : memref<512xf32, #tpu.memory_space<vmem>>, vector<16xf32>,
    } {sc.loop_unroll_factor = 4 : i64, sc.parallel_access}
    %dma_start3A_22 = tpu.memref_slice %arg5[%mul3A_2] : memref<16384xf32, #tpu.memory_space<hbm>> -> memref<512xf32, #tpu.memory_space<hbm>>
    %dma_start3A_23 = tpu.memref_slice %arg5[%mul3A_2] : memref<16384xf32, #tpu.memory_space<hbm>> -> memref<512xf32, #tpu.memory_space<hbm>>
    tpu.enqueue_dma source(%arg7 : memref<512xf32, #tpu.memory_space<vmem>>) target(%dma_start3A_23 : memref<512xf32, #tpu.memory_space<hbm>>) target_semaphore(%arg20 : memref<!tpu.dma_semaphore, #tpu.memory_space<semaphore_mem>>)
    %scan3A = arith.constant 0 : i32
    %scan3A_24 = arith.constant 0 : i32
    %scan3A_25 = arith.constant 21 : i32
    %scan3A_26 = arith.addi %scan3A_24, %scan3A_25 : i32
    %scan3A_27 = arith.constant 1 : i32
    scf.for %scan3A_69 = %scan3A_24 to %scan3A_26 step %scan3A_27  : i32 {
      %mul3A_70 = arith.constant 3 : i32
      %mul3A_71 = arith.muli %mul3A_70, %scan3A_69 : i32
      %add3A_72 = arith.constant 0 : i32
      %add3A_73 = arith.addi %mul3A_71, %add3A_72 : i32
      %mul3A_74 = arith.constant 8 : i32
      %mul3A_75 = arith.muli %add3A_73, %mul3A_74 : i32
      %add3A_76 = arith.addi %mul3A_2, %mul3A_75 : i32
      %dma_wait3A_77 = arith.constant 0 : i32
      %dma_wait3A_78 = tpu.memref_slice %arg2[%add3A_76, %dma_wait3A_77] : memref<16384x2048xf32, #tpu.memory_space<hbm>> -> memref<8x2048xf32, #tpu.memory_space<hbm>>
      %dma_wait3A_79 = arith.constant 0 : i32
      %dma_wait3A_80 = tpu.memref_slice %arg2[%add3A_76, %dma_wait3A_79] : memref<16384x2048xf32, #tpu.memory_space<hbm>> -> memref<8x2048xf32, #tpu.memory_space<hbm>>
      tpu.wait_dma2 semaphore(%arg14 : memref<!tpu.dma_semaphore, #tpu.memory_space<semaphore_mem>>) src(%dma_wait3A_80 : memref<8x2048xf32, #tpu.memory_space<hbm>>) dst(%arg8 : memref<8x2048xf32, #tpu.memory_space<vmem>>)
      %ge3A = arith.constant 3 : i32
      %ge3A_81 = arith.cmpi sge, %add3A_73, %ge3A : i32
      %convert_element_type3A = arith.extui %ge3A_81 : i1 to i32
      %cond3A = arith.constant 0 : i32
      %cond3A_82 = arith.cmpi ne, %convert_element_type3A, %cond3A : i32
      scf.if %cond3A_82 {
        %sub3A = arith.constant 3 : i32
        %sub3A_165 = arith.subi %add3A_73, %sub3A : i32
        %mul3A_166 = arith.constant 8 : i32
        %mul3A_167 = arith.muli %sub3A_165, %mul3A_166 : i32
        %add3A_168 = arith.addi %mul3A_2, %mul3A_167 : i32
        %dma_wait3A_169 = arith.constant 0 : i32
        %dma_wait3A_170 = tpu.memref_slice %arg4[%add3A_168, %dma_wait3A_169] : memref<16384x2048xf32, #tpu.memory_space<hbm>> -> memref<8x2048xf32, #tpu.memory_space<hbm>>
        %dma_wait3A_171 = arith.constant 0 : i32
        %dma_wait3A_172 = tpu.memref_slice %arg4[%add3A_168, %dma_wait3A_171] : memref<16384x2048xf32, #tpu.memory_space<hbm>> -> memref<8x2048xf32, #tpu.memory_space<hbm>>
        tpu.wait_dma2 semaphore(%arg17 : memref<!tpu.dma_semaphore, #tpu.memory_space<semaphore_mem>>) src(%arg11 : memref<8x2048xf32, #tpu.memory_space<vmem>>) dst(%dma_wait3A_172 : memref<8x2048xf32, #tpu.memory_space<hbm>>)
      } else {
      }
      %parallel_loop3A_83 = arith.constant 0 : i32
      %parallel_loop3A_84 = arith.constant 128 : i32
      %parallel_loop3A_85 = arith.constant 1 : i32
      scf.for %parallel_loop3A_165 = %parallel_loop3A_83 to %parallel_loop3A_84 step %parallel_loop3A_85  : i32 {
        %parallel_loop3A_166 = arith.constant 16 : i32
        %parallel_loop3A_167 = arith.muli %parallel_loop3A_165, %parallel_loop3A_166 : i32
        %parallel_loop3A_168 = arith.index_cast %parallel_loop3A_167 : i32 to index
        %parallel_loop3A_169 = tpu.vector_load %arg6[%parallel_loop3A_168] {strides = array<i32>} : memref<2048xi32, #tpu.memory_space<vmem>>, vector<16xi32>,
        %parallel_loop3A_170 = arith.constant 0 : i32
        %parallel_loop3A_171 = vector.broadcast %parallel_loop3A_170 : i32 to vector<16xi32>
        %parallel_loop3A_172 = tpu.vector_load_idx %arg8[%parallel_loop3A_171, %parallel_loop3A_169] : memref<8x2048xf32, #tpu.memory_space<vmem>>[vector<16xi32>, vector<16xi32>], vector<16xf32>,
        %parallel_loop3A_173 = arith.constant 16 : i32
        %parallel_loop3A_174 = arith.muli %parallel_loop3A_165, %parallel_loop3A_173 : i32
        %parallel_loop3A_175 = arith.constant 0 : i32
        %parallel_loop3A_176 = arith.index_cast %parallel_loop3A_175 : i32 to index
        %parallel_loop3A_177 = arith.index_cast %parallel_loop3A_174 : i32 to index
        %parallel_loop3A_178 = tpu.vector_load %arg11[%parallel_loop3A_176, %parallel_loop3A_177] {strides = array<i32>} : memref<8x2048xf32, #tpu.memory_space<vmem>>, vector<16xf32>,
        tpu.vector_store %arg11[%parallel_loop3A_176, %parallel_loop3A_177], %parallel_loop3A_172 {strides = array<i32>} : memref<8x2048xf32, #tpu.memory_space<vmem>>, vector<16xf32>,
        %parallel_loop3A_179 = arith.constant 1 : i32
        %parallel_loop3A_180 = vector.broadcast %parallel_loop3A_179 : i32 to vector<16xi32>
        %parallel_loop3A_181 = tpu.vector_load_idx %arg8[%parallel_loop3A_180, %parallel_loop3A_169] : memref<8x2048xf32, #tpu.memory_space<vmem>>[vector<16xi32>, vector<16xi32>], vector<16xf32>,
        %parallel_loop3A_182 = arith.constant 16 : i32
        %parallel_loop3A_183 = arith.muli %parallel_loop3A_165, %parallel_loop3A_182 : i32
        %parallel_loop3A_184 = arith.constant 1 : i32
        %parallel_loop3A_185 = arith.index_cast %parallel_loop3A_184 : i32 to index
        %parallel_loop3A_186 = arith.index_cast %parallel_loop3A_183 : i32 to index
        %parallel_loop3A_187 = tpu.vector_load %arg11[%parallel_loop3A_185, %parallel_loop3A_186] {strides = array<i32>} : memref<8x2048xf32, #tpu.memory_space<vmem>>, vector<16xf32>,
        tpu.vector_store %arg11[%parallel_loop3A_185, %parallel_loop3A_186], %parallel_loop3A_181 {strides = array<i32>} : memref<8x2048xf32, #tpu.memory_space<vmem>>, vector<16xf32>,
        %parallel_loop3A_188 = arith.constant 2 : i32
        %parallel_loop3A_189 = vector.broadcast %parallel_loop3A_188 : i32 to vector<16xi32>
        %parallel_loop3A_190 = tpu.vector_load_idx %arg8[%parallel_loop3A_189, %parallel_loop3A_169] : memref<8x2048xf32, #tpu.memory_space<vmem>>[vector<16xi32>, vector<16xi32>], vector<16xf32>,
        %parallel_loop3A_191 = arith.constant 16 : i32
        %parallel_loop3A_192 = arith.muli %parallel_loop3A_165, %parallel_loop3A_191 : i32
        %parallel_loop3A_193 = arith.constant 2 : i32
        %parallel_loop3A_194 = arith.index_cast %parallel_loop3A_193 : i32 to index
        %parallel_loop3A_195 = arith.index_cast %parallel_loop3A_192 : i32 to index
        %parallel_loop3A_196 = tpu.vector_load %arg11[%parallel_loop3A_194, %parallel_loop3A_195] {strides = array<i32>} : memref<8x2048xf32, #tpu.memory_space<vmem>>, vector<16xf32>,
        tpu.vector_store %arg11[%parallel_loop3A_194, %parallel_loop3A_195], %parallel_loop3A_190 {strides = array<i32>} : memref<8x2048xf32, #tpu.memory_space<vmem>>, vector<16xf32>,
        %parallel_loop3A_197 = arith.constant 3 : i32
        %parallel_loop3A_198 = vector.broadcast %parallel_loop3A_197 : i32 to vector<16xi32>
        %parallel_loop3A_199 = tpu.vector_load_idx %arg8[%parallel_loop3A_198, %parallel_loop3A_169] : memref<8x2048xf32, #tpu.memory_space<vmem>>[vector<16xi32>, vector<16xi32>], vector<16xf32>,
        %parallel_loop3A_200 = arith.constant 16 : i32
        %parallel_loop3A_201 = arith.muli %parallel_loop3A_165, %parallel_loop3A_200 : i32
        %parallel_loop3A_202 = arith.constant 3 : i32
        %parallel_loop3A_203 = arith.index_cast %parallel_loop3A_202 : i32 to index
        %parallel_loop3A_204 = arith.index_cast %parallel_loop3A_201 : i32 to index
        %parallel_loop3A_205 = tpu.vector_load %arg11[%parallel_loop3A_203, %parallel_loop3A_204] {strides = array<i32>} : memref<8x2048xf32, #tpu.memory_space<vmem>>, vector<16xf32>,
        tpu.vector_store %arg11[%parallel_loop3A_203, %parallel_loop3A_204], %parallel_loop3A_199 {strides = array<i32>} : memref<8x2048xf32, #tpu.memory_space<vmem>>, vector<16xf32>,
        %parallel_loop3A_206 = arith.constant 4 : i32
        %parallel_loop3A_207 = vector.broadcast %parallel_loop3A_206 : i32 to vector<16xi32>
        %parallel_loop3A_208 = tpu.vector_load_idx %arg8[%parallel_loop3A_207, %parallel_loop3A_169] : memref<8x2048xf32, #tpu.memory_space<vmem>>[vector<16xi32>, vector<16xi32>], vector<16xf32>,
        %parallel_loop3A_209 = arith.constant 16 : i32
        %parallel_loop3A_210 = arith.muli %parallel_loop3A_165, %parallel_loop3A_209 : i32
        %parallel_loop3A_211 = arith.constant 4 : i32
        %parallel_loop3A_212 = arith.index_cast %parallel_loop3A_211 : i32 to index
        %parallel_loop3A_213 = arith.index_cast %parallel_loop3A_210 : i32 to index
        %parallel_loop3A_214 = tpu.vector_load %arg11[%parallel_loop3A_212, %parallel_loop3A_213] {strides = array<i32>} : memref<8x2048xf32, #tpu.memory_space<vmem>>, vector<16xf32>,
        tpu.vector_store %arg11[%parallel_loop3A_212, %parallel_loop3A_213], %parallel_loop3A_208 {strides = array<i32>} : memref<8x2048xf32, #tpu.memory_space<vmem>>, vector<16xf32>,
        %parallel_loop3A_215 = arith.constant 5 : i32
        %parallel_loop3A_216 = vector.broadcast %parallel_loop3A_215 : i32 to vector<16xi32>
        %parallel_loop3A_217 = tpu.vector_load_idx %arg8[%parallel_loop3A_216, %parallel_loop3A_169] : memref<8x2048xf32, #tpu.memory_space<vmem>>[vector<16xi32>, vector<16xi32>], vector<16xf32>,
        %parallel_loop3A_218 = arith.constant 16 : i32
        %parallel_loop3A_219 = arith.muli %parallel_loop3A_165, %parallel_loop3A_218 : i32
        %parallel_loop3A_220 = arith.constant 5 : i32
        %parallel_loop3A_221 = arith.index_cast %parallel_loop3A_220 : i32 to index
        %parallel_loop3A_222 = arith.index_cast %parallel_loop3A_219 : i32 to index
        %parallel_loop3A_223 = tpu.vector_load %arg11[%parallel_loop3A_221, %parallel_loop3A_222] {strides = array<i32>} : memref<8x2048xf32, #tpu.memory_space<vmem>>, vector<16xf32>,
        tpu.vector_store %arg11[%parallel_loop3A_221, %parallel_loop3A_222], %parallel_loop3A_217 {strides = array<i32>} : memref<8x2048xf32, #tpu.memory_space<vmem>>, vector<16xf32>,
        %parallel_loop3A_224 = arith.constant 6 : i32
        %parallel_loop3A_225 = vector.broadcast %parallel_loop3A_224 : i32 to vector<16xi32>
        %parallel_loop3A_226 = tpu.vector_load_idx %arg8[%parallel_loop3A_225, %parallel_loop3A_169] : memref<8x2048xf32, #tpu.memory_space<vmem>>[vector<16xi32>, vector<16xi32>], vector<16xf32>,
        %parallel_loop3A_227 = arith.constant 16 : i32
        %parallel_loop3A_228 = arith.muli %parallel_loop3A_165, %parallel_loop3A_227 : i32
        %parallel_loop3A_229 = arith.constant 6 : i32
        %parallel_loop3A_230 = arith.index_cast %parallel_loop3A_229 : i32 to index
        %parallel_loop3A_231 = arith.index_cast %parallel_loop3A_228 : i32 to index
        %parallel_loop3A_232 = tpu.vector_load %arg11[%parallel_loop3A_230, %parallel_loop3A_231] {strides = array<i32>} : memref<8x2048xf32, #tpu.memory_space<vmem>>, vector<16xf32>,
        tpu.vector_store %arg11[%parallel_loop3A_230, %parallel_loop3A_231], %parallel_loop3A_226 {strides = array<i32>} : memref<8x2048xf32, #tpu.memory_space<vmem>>, vector<16xf32>,
        %parallel_loop3A_233 = arith.constant 7 : i32
        %parallel_loop3A_234 = vector.broadcast %parallel_loop3A_233 : i32 to vector<16xi32>
        %parallel_loop3A_235 = tpu.vector_load_idx %arg8[%parallel_loop3A_234, %parallel_loop3A_169] : memref<8x2048xf32, #tpu.memory_space<vmem>>[vector<16xi32>, vector<16xi32>], vector<16xf32>,
        %parallel_loop3A_236 = arith.constant 16 : i32
        %parallel_loop3A_237 = arith.muli %parallel_loop3A_165, %parallel_loop3A_236 : i32
        %parallel_loop3A_238 = arith.constant 7 : i32
        %parallel_loop3A_239 = arith.index_cast %parallel_loop3A_238 : i32 to index
        %parallel_loop3A_240 = arith.index_cast %parallel_loop3A_237 : i32 to index
        %parallel_loop3A_241 = tpu.vector_load %arg11[%parallel_loop3A_239, %parallel_loop3A_240] {strides = array<i32>} : memref<8x2048xf32, #tpu.memory_space<vmem>>, vector<16xf32>,
        tpu.vector_store %arg11[%parallel_loop3A_239, %parallel_loop3A_240], %parallel_loop3A_235 {strides = array<i32>} : memref<8x2048xf32, #tpu.memory_space<vmem>>, vector<16xf32>,
      } {sc.loop_unroll_factor = 4 : i64, sc.parallel_access}
      %add3A_86 = arith.constant 3 : i32
      %add3A_87 = arith.addi %add3A_73, %add3A_86 : i32
      %lt3A = arith.constant 64 : i32
      %lt3A_88 = arith.cmpi slt, %add3A_87, %lt3A : i32
      %convert_element_type3A_89 = arith.extui %lt3A_88 : i1 to i32
      %cond3A_90 = arith.constant 0 : i32
      %cond3A_91 = arith.cmpi ne, %convert_element_type3A_89, %cond3A_90 : i32
      scf.if %cond3A_91 {
        %add3A_165 = arith.constant 3 : i32
        %add3A_166 = arith.addi %add3A_73, %add3A_165 : i32
        %mul3A_167 = arith.constant 8 : i32
        %mul3A_168 = arith.muli %add3A_166, %mul3A_167 : i32
        %add3A_169 = arith.addi %mul3A_2, %mul3A_168 : i32
        %dma_start3A_170 = arith.constant 0 : i32
        %dma_start3A_171 = tpu.memref_slice %arg2[%add3A_169, %dma_start3A_170] : memref<16384x2048xf32, #tpu.memory_space<hbm>> -> memref<8x2048xf32, #tpu.memory_space<hbm>>
        %dma_start3A_172 = arith.constant 0 : i32
        %dma_start3A_173 = tpu.memref_slice %arg2[%add3A_169, %dma_start3A_172] : memref<16384x2048xf32, #tpu.memory_space<hbm>> -> memref<8x2048xf32, #tpu.memory_space<hbm>>
        tpu.enqueue_dma source(%dma_start3A_173 : memref<8x2048xf32, #tpu.memory_space<hbm>>) target(%arg8 : memref<8x2048xf32, #tpu.memory_space<vmem>>) target_semaphore(%arg14 : memref<!tpu.dma_semaphore, #tpu.memory_space<semaphore_mem>>)
      } else {
      }
      %mul3A_92 = arith.constant 8 : i32
      %mul3A_93 = arith.muli %add3A_73, %mul3A_92 : i32
      %add3A_94 = arith.addi %mul3A_2, %mul3A_93 : i32
      %dma_start3A_95 = arith.constant 0 : i32
      %dma_start3A_96 = tpu.memref_slice %arg4[%add3A_94, %dma_start3A_95] : memref<16384x2048xf32, #tpu.memory_space<hbm>> -> memref<8x2048xf32, #tpu.memory_space<hbm>>
      %dma_start3A_97 = arith.constant 0 : i32
      %dma_start3A_98 = tpu.memref_slice %arg4[%add3A_94, %dma_start3A_97] : memref<16384x2048xf32, #tpu.memory_space<hbm>> -> memref<8x2048xf32, #tpu.memory_space<hbm>>
      tpu.enqueue_dma source(%arg11 : memref<8x2048xf32, #tpu.memory_space<vmem>>) target(%dma_start3A_98 : memref<8x2048xf32, #tpu.memory_space<hbm>>) target_semaphore(%arg17 : memref<!tpu.dma_semaphore, #tpu.memory_space<semaphore_mem>>)
      %mul3A_99 = arith.constant 3 : i32
      %mul3A_100 = arith.muli %mul3A_99, %scan3A_69 : i32
      %add3A_101 = arith.constant 1 : i32
      %add3A_102 = arith.addi %mul3A_100, %add3A_101 : i32
      %mul3A_103 = arith.constant 8 : i32
      %mul3A_104 = arith.muli %add3A_102, %mul3A_103 : i32
      %add3A_105 = arith.addi %mul3A_2, %mul3A_104 : i32
      %dma_wait3A_106 = arith.constant 0 : i32
      %dma_wait3A_107 = tpu.memref_slice %arg2[%add3A_105, %dma_wait3A_106] : memref<16384x2048xf32, #tpu.memory_space<hbm>> -> memref<8x2048xf32, #tpu.memory_space<hbm>>
      %dma_wait3A_108 = arith.constant 0 : i32
      %dma_wait3A_109 = tpu.memref_slice %arg2[%add3A_105, %dma_wait3A_108] : memref<16384x2048xf32, #tpu.memory_space<hbm>> -> memref<8x2048xf32, #tpu.memory_space<hbm>>
      tpu.wait_dma2 semaphore(%arg15 : memref<!tpu.dma_semaphore, #tpu.memory_space<semaphore_mem>>) src(%dma_wait3A_109 : memref<8x2048xf32, #tpu.memory_space<hbm>>) dst(%arg9 : memref<8x2048xf32, #tpu.memory_space<vmem>>)
      %ge3A_110 = arith.constant 3 : i32
      %ge3A_111 = arith.cmpi sge, %add3A_102, %ge3A_110 : i32
      %convert_element_type3A_112 = arith.extui %ge3A_111 : i1 to i32
      %cond3A_113 = arith.constant 0 : i32
      %cond3A_114 = arith.cmpi ne, %convert_element_type3A_112, %cond3A_113 : i32
      scf.if %cond3A_114 {
        %sub3A = arith.constant 3 : i32
        %sub3A_165 = arith.subi %add3A_102, %sub3A : i32
        %mul3A_166 = arith.constant 8 : i32
        %mul3A_167 = arith.muli %sub3A_165, %mul3A_166 : i32
        %add3A_168 = arith.addi %mul3A_2, %mul3A_167 : i32
        %dma_wait3A_169 = arith.constant 0 : i32
        %dma_wait3A_170 = tpu.memref_slice %arg4[%add3A_168, %dma_wait3A_169] : memref<16384x2048xf32, #tpu.memory_space<hbm>> -> memref<8x2048xf32, #tpu.memory_space<hbm>>
        %dma_wait3A_171 = arith.constant 0 : i32
        %dma_wait3A_172 = tpu.memref_slice %arg4[%add3A_168, %dma_wait3A_171] : memref<16384x2048xf32, #tpu.memory_space<hbm>> -> memref<8x2048xf32, #tpu.memory_space<hbm>>
        tpu.wait_dma2 semaphore(%arg18 : memref<!tpu.dma_semaphore, #tpu.memory_space<semaphore_mem>>) src(%arg12 : memref<8x2048xf32, #tpu.memory_space<vmem>>) dst(%dma_wait3A_172 : memref<8x2048xf32, #tpu.memory_space<hbm>>)
      } else {
      }
      %parallel_loop3A_115 = arith.constant 0 : i32
      %parallel_loop3A_116 = arith.constant 128 : i32
      %parallel_loop3A_117 = arith.constant 1 : i32
      scf.for %parallel_loop3A_165 = %parallel_loop3A_115 to %parallel_loop3A_116 step %parallel_loop3A_117  : i32 {
        %parallel_loop3A_166 = arith.constant 16 : i32
        %parallel_loop3A_167 = arith.muli %parallel_loop3A_165, %parallel_loop3A_166 : i32
        %parallel_loop3A_168 = arith.index_cast %parallel_loop3A_167 : i32 to index
        %parallel_loop3A_169 = tpu.vector_load %arg6[%parallel_loop3A_168] {strides = array<i32>} : memref<2048xi32, #tpu.memory_space<vmem>>, vector<16xi32>,
        %parallel_loop3A_170 = arith.constant 0 : i32
        %parallel_loop3A_171 = vector.broadcast %parallel_loop3A_170 : i32 to vector<16xi32>
        %parallel_loop3A_172 = tpu.vector_load_idx %arg9[%parallel_loop3A_171, %parallel_loop3A_169] : memref<8x2048xf32, #tpu.memory_space<vmem>>[vector<16xi32>, vector<16xi32>], vector<16xf32>,
        %parallel_loop3A_173 = arith.constant 16 : i32
        %parallel_loop3A_174 = arith.muli %parallel_loop3A_165, %parallel_loop3A_173 : i32
        %parallel_loop3A_175 = arith.constant 0 : i32
        %parallel_loop3A_176 = arith.index_cast %parallel_loop3A_175 : i32 to index
        %parallel_loop3A_177 = arith.index_cast %parallel_loop3A_174 : i32 to index
        %parallel_loop3A_178 = tpu.vector_load %arg12[%parallel_loop3A_176, %parallel_loop3A_177] {strides = array<i32>} : memref<8x2048xf32, #tpu.memory_space<vmem>>, vector<16xf32>,
        tpu.vector_store %arg12[%parallel_loop3A_176, %parallel_loop3A_177], %parallel_loop3A_172 {strides = array<i32>} : memref<8x2048xf32, #tpu.memory_space<vmem>>, vector<16xf32>,
        %parallel_loop3A_179 = arith.constant 1 : i32
        %parallel_loop3A_180 = vector.broadcast %parallel_loop3A_179 : i32 to vector<16xi32>
        %parallel_loop3A_181 = tpu.vector_load_idx %arg9[%parallel_loop3A_180, %parallel_loop3A_169] : memref<8x2048xf32, #tpu.memory_space<vmem>>[vector<16xi32>, vector<16xi32>], vector<16xf32>,
        %parallel_loop3A_182 = arith.constant 16 : i32
        %parallel_loop3A_183 = arith.muli %parallel_loop3A_165, %parallel_loop3A_182 : i32
        %parallel_loop3A_184 = arith.constant 1 : i32
        %parallel_loop3A_185 = arith.index_cast %parallel_loop3A_184 : i32 to index
        %parallel_loop3A_186 = arith.index_cast %parallel_loop3A_183 : i32 to index
        %parallel_loop3A_187 = tpu.vector_load %arg12[%parallel_loop3A_185, %parallel_loop3A_186] {strides = array<i32>} : memref<8x2048xf32, #tpu.memory_space<vmem>>, vector<16xf32>,
        tpu.vector_store %arg12[%parallel_loop3A_185, %parallel_loop3A_186], %parallel_loop3A_181 {strides = array<i32>} : memref<8x2048xf32, #tpu.memory_space<vmem>>, vector<16xf32>,
        %parallel_loop3A_188 = arith.constant 2 : i32
        %parallel_loop3A_189 = vector.broadcast %parallel_loop3A_188 : i32 to vector<16xi32>
        %parallel_loop3A_190 = tpu.vector_load_idx %arg9[%parallel_loop3A_189, %parallel_loop3A_169] : memref<8x2048xf32, #tpu.memory_space<vmem>>[vector<16xi32>, vector<16xi32>], vector<16xf32>,
        %parallel_loop3A_191 = arith.constant 16 : i32
        %parallel_loop3A_192 = arith.muli %parallel_loop3A_165, %parallel_loop3A_191 : i32
        %parallel_loop3A_193 = arith.constant 2 : i32
        %parallel_loop3A_194 = arith.index_cast %parallel_loop3A_193 : i32 to index
        %parallel_loop3A_195 = arith.index_cast %parallel_loop3A_192 : i32 to index
        %parallel_loop3A_196 = tpu.vector_load %arg12[%parallel_loop3A_194, %parallel_loop3A_195] {strides = array<i32>} : memref<8x2048xf32, #tpu.memory_space<vmem>>, vector<16xf32>,
        tpu.vector_store %arg12[%parallel_loop3A_194, %parallel_loop3A_195], %parallel_loop3A_190 {strides = array<i32>} : memref<8x2048xf32, #tpu.memory_space<vmem>>, vector<16xf32>,
        %parallel_loop3A_197 = arith.constant 3 : i32
        %parallel_loop3A_198 = vector.broadcast %parallel_loop3A_197 : i32 to vector<16xi32>
        %parallel_loop3A_199 = tpu.vector_load_idx %arg9[%parallel_loop3A_198, %parallel_loop3A_169] : memref<8x2048xf32, #tpu.memory_space<vmem>>[vector<16xi32>, vector<16xi32>], vector<16xf32>,
        %parallel_loop3A_200 = arith.constant 16 : i32
        %parallel_loop3A_201 = arith.muli %parallel_loop3A_165, %parallel_loop3A_200 : i32
        %parallel_loop3A_202 = arith.constant 3 : i32
        %parallel_loop3A_203 = arith.index_cast %parallel_loop3A_202 : i32 to index
        %parallel_loop3A_204 = arith.index_cast %parallel_loop3A_201 : i32 to index
        %parallel_loop3A_205 = tpu.vector_load %arg12[%parallel_loop3A_203, %parallel_loop3A_204] {strides = array<i32>} : memref<8x2048xf32, #tpu.memory_space<vmem>>, vector<16xf32>,
        tpu.vector_store %arg12[%parallel_loop3A_203, %parallel_loop3A_204], %parallel_loop3A_199 {strides = array<i32>} : memref<8x2048xf32, #tpu.memory_space<vmem>>, vector<16xf32>,
        %parallel_loop3A_206 = arith.constant 4 : i32
        %parallel_loop3A_207 = vector.broadcast %parallel_loop3A_206 : i32 to vector<16xi32>
        %parallel_loop3A_208 = tpu.vector_load_idx %arg9[%parallel_loop3A_207, %parallel_loop3A_169] : memref<8x2048xf32, #tpu.memory_space<vmem>>[vector<16xi32>, vector<16xi32>], vector<16xf32>,
        %parallel_loop3A_209 = arith.constant 16 : i32
        %parallel_loop3A_210 = arith.muli %parallel_loop3A_165, %parallel_loop3A_209 : i32
        %parallel_loop3A_211 = arith.constant 4 : i32
        %parallel_loop3A_212 = arith.index_cast %parallel_loop3A_211 : i32 to index
        %parallel_loop3A_213 = arith.index_cast %parallel_loop3A_210 : i32 to index
        %parallel_loop3A_214 = tpu.vector_load %arg12[%parallel_loop3A_212, %parallel_loop3A_213] {strides = array<i32>} : memref<8x2048xf32, #tpu.memory_space<vmem>>, vector<16xf32>,
        tpu.vector_store %arg12[%parallel_loop3A_212, %parallel_loop3A_213], %parallel_loop3A_208 {strides = array<i32>} : memref<8x2048xf32, #tpu.memory_space<vmem>>, vector<16xf32>,
        %parallel_loop3A_215 = arith.constant 5 : i32
        %parallel_loop3A_216 = vector.broadcast %parallel_loop3A_215 : i32 to vector<16xi32>
        %parallel_loop3A_217 = tpu.vector_load_idx %arg9[%parallel_loop3A_216, %parallel_loop3A_169] : memref<8x2048xf32, #tpu.memory_space<vmem>>[vector<16xi32>, vector<16xi32>], vector<16xf32>,
        %parallel_loop3A_218 = arith.constant 16 : i32
        %parallel_loop3A_219 = arith.muli %parallel_loop3A_165, %parallel_loop3A_218 : i32
        %parallel_loop3A_220 = arith.constant 5 : i32
        %parallel_loop3A_221 = arith.index_cast %parallel_loop3A_220 : i32 to index
        %parallel_loop3A_222 = arith.index_cast %parallel_loop3A_219 : i32 to index
        %parallel_loop3A_223 = tpu.vector_load %arg12[%parallel_loop3A_221, %parallel_loop3A_222] {strides = array<i32>} : memref<8x2048xf32, #tpu.memory_space<vmem>>, vector<16xf32>,
        tpu.vector_store %arg12[%parallel_loop3A_221, %parallel_loop3A_222], %parallel_loop3A_217 {strides = array<i32>} : memref<8x2048xf32, #tpu.memory_space<vmem>>, vector<16xf32>,
        %parallel_loop3A_224 = arith.constant 6 : i32
        %parallel_loop3A_225 = vector.broadcast %parallel_loop3A_224 : i32 to vector<16xi32>
        %parallel_loop3A_226 = tpu.vector_load_idx %arg9[%parallel_loop3A_225, %parallel_loop3A_169] : memref<8x2048xf32, #tpu.memory_space<vmem>>[vector<16xi32>, vector<16xi32>], vector<16xf32>,
        %parallel_loop3A_227 = arith.constant 16 : i32
        %parallel_loop3A_228 = arith.muli %parallel_loop3A_165, %parallel_loop3A_227 : i32
        %parallel_loop3A_229 = arith.constant 6 : i32
        %parallel_loop3A_230 = arith.index_cast %parallel_loop3A_229 : i32 to index
        %parallel_loop3A_231 = arith.index_cast %parallel_loop3A_228 : i32 to index
        %parallel_loop3A_232 = tpu.vector_load %arg12[%parallel_loop3A_230, %parallel_loop3A_231] {strides = array<i32>} : memref<8x2048xf32, #tpu.memory_space<vmem>>, vector<16xf32>,
        tpu.vector_store %arg12[%parallel_loop3A_230, %parallel_loop3A_231], %parallel_loop3A_226 {strides = array<i32>} : memref<8x2048xf32, #tpu.memory_space<vmem>>, vector<16xf32>,
        %parallel_loop3A_233 = arith.constant 7 : i32
        %parallel_loop3A_234 = vector.broadcast %parallel_loop3A_233 : i32 to vector<16xi32>
        %parallel_loop3A_235 = tpu.vector_load_idx %arg9[%parallel_loop3A_234, %parallel_loop3A_169] : memref<8x2048xf32, #tpu.memory_space<vmem>>[vector<16xi32>, vector<16xi32>], vector<16xf32>,
        %parallel_loop3A_236 = arith.constant 16 : i32
        %parallel_loop3A_237 = arith.muli %parallel_loop3A_165, %parallel_loop3A_236 : i32
        %parallel_loop3A_238 = arith.constant 7 : i32
        %parallel_loop3A_239 = arith.index_cast %parallel_loop3A_238 : i32 to index
        %parallel_loop3A_240 = arith.index_cast %parallel_loop3A_237 : i32 to index
        %parallel_loop3A_241 = tpu.vector_load %arg12[%parallel_loop3A_239, %parallel_loop3A_240] {strides = array<i32>} : memref<8x2048xf32, #tpu.memory_space<vmem>>, vector<16xf32>,
        tpu.vector_store %arg12[%parallel_loop3A_239, %parallel_loop3A_240], %parallel_loop3A_235 {strides = array<i32>} : memref<8x2048xf32, #tpu.memory_space<vmem>>, vector<16xf32>,
      } {sc.loop_unroll_factor = 4 : i64, sc.parallel_access}
      %add3A_118 = arith.constant 3 : i32
      %add3A_119 = arith.addi %add3A_102, %add3A_118 : i32
      %lt3A_120 = arith.constant 64 : i32
      %lt3A_121 = arith.cmpi slt, %add3A_119, %lt3A_120 : i32
      %convert_element_type3A_122 = arith.extui %lt3A_121 : i1 to i32
      %cond3A_123 = arith.constant 0 : i32
      %cond3A_124 = arith.cmpi ne, %convert_element_type3A_122, %cond3A_123 : i32
      scf.if %cond3A_124 {
        %add3A_165 = arith.constant 3 : i32
        %add3A_166 = arith.addi %add3A_102, %add3A_165 : i32
        %mul3A_167 = arith.constant 8 : i32
        %mul3A_168 = arith.muli %add3A_166, %mul3A_167 : i32
        %add3A_169 = arith.addi %mul3A_2, %mul3A_168 : i32
        %dma_start3A_170 = arith.constant 0 : i32
        %dma_start3A_171 = tpu.memref_slice %arg2[%add3A_169, %dma_start3A_170] : memref<16384x2048xf32, #tpu.memory_space<hbm>> -> memref<8x2048xf32, #tpu.memory_space<hbm>>
        %dma_start3A_172 = arith.constant 0 : i32
        %dma_start3A_173 = tpu.memref_slice %arg2[%add3A_169, %dma_start3A_172] : memref<16384x2048xf32, #tpu.memory_space<hbm>> -> memref<8x2048xf32, #tpu.memory_space<hbm>>
        tpu.enqueue_dma source(%dma_start3A_173 : memref<8x2048xf32, #tpu.memory_space<hbm>>) target(%arg9 : memref<8x2048xf32, #tpu.memory_space<vmem>>) target_semaphore(%arg15 : memref<!tpu.dma_semaphore, #tpu.memory_space<semaphore_mem>>)
      } else {
      }
      %mul3A_125 = arith.constant 8 : i32
      %mul3A_126 = arith.muli %add3A_102, %mul3A_125 : i32
      %add3A_127 = arith.addi %mul3A_2, %mul3A_126 : i32
      %dma_start3A_128 = arith.constant 0 : i32
      %dma_start3A_129 = tpu.memref_slice %arg4[%add3A_127, %dma_start3A_128] : memref<16384x2048xf32, #tpu.memory_space<hbm>> -> memref<8x2048xf32, #tpu.memory_space<hbm>>
      %dma_start3A_130 = arith.constant 0 : i32
      %dma_start3A_131 = tpu.memref_slice %arg4[%add3A_127, %dma_start3A_130] : memref<16384x2048xf32, #tpu.memory_space<hbm>> -> memref<8x2048xf32, #tpu.memory_space<hbm>>
      tpu.enqueue_dma source(%arg12 : memref<8x2048xf32, #tpu.memory_space<vmem>>) target(%dma_start3A_131 : memref<8x2048xf32, #tpu.memory_space<hbm>>) target_semaphore(%arg18 : memref<!tpu.dma_semaphore, #tpu.memory_space<semaphore_mem>>)
      %mul3A_132 = arith.constant 3 : i32
      %mul3A_133 = arith.muli %mul3A_132, %scan3A_69 : i32
      %add3A_134 = arith.constant 2 : i32
      %add3A_135 = arith.addi %mul3A_133, %add3A_134 : i32
      %mul3A_136 = arith.constant 8 : i32
      %mul3A_137 = arith.muli %add3A_135, %mul3A_136 : i32
      %add3A_138 = arith.addi %mul3A_2, %mul3A_137 : i32
      %dma_wait3A_139 = arith.constant 0 : i32
      %dma_wait3A_140 = tpu.memref_slice %arg2[%add3A_138, %dma_wait3A_139] : memref<16384x2048xf32, #tpu.memory_space<hbm>> -> memref<8x2048xf32, #tpu.memory_space<hbm>>
      %dma_wait3A_141 = arith.constant 0 : i32
      %dma_wait3A_142 = tpu.memref_slice %arg2[%add3A_138, %dma_wait3A_141] : memref<16384x2048xf32, #tpu.memory_space<hbm>> -> memref<8x2048xf32, #tpu.memory_space<hbm>>
      tpu.wait_dma2 semaphore(%arg16 : memref<!tpu.dma_semaphore, #tpu.memory_space<semaphore_mem>>) src(%dma_wait3A_142 : memref<8x2048xf32, #tpu.memory_space<hbm>>) dst(%arg10 : memref<8x2048xf32, #tpu.memory_space<vmem>>)
      %ge3A_143 = arith.constant 3 : i32
      %ge3A_144 = arith.cmpi sge, %add3A_135, %ge3A_143 : i32
      %convert_element_type3A_145 = arith.extui %ge3A_144 : i1 to i32
      %cond3A_146 = arith.constant 0 : i32
      %cond3A_147 = arith.cmpi ne, %convert_element_type3A_145, %cond3A_146 : i32
      scf.if %cond3A_147 {
        %sub3A = arith.constant 3 : i32
        %sub3A_165 = arith.subi %add3A_135, %sub3A : i32
        %mul3A_166 = arith.constant 8 : i32
        %mul3A_167 = arith.muli %sub3A_165, %mul3A_166 : i32
        %add3A_168 = arith.addi %mul3A_2, %mul3A_167 : i32
        %dma_wait3A_169 = arith.constant 0 : i32
        %dma_wait3A_170 = tpu.memref_slice %arg4[%add3A_168, %dma_wait3A_169] : memref<16384x2048xf32, #tpu.memory_space<hbm>> -> memref<8x2048xf32, #tpu.memory_space<hbm>>
        %dma_wait3A_171 = arith.constant 0 : i32
        %dma_wait3A_172 = tpu.memref_slice %arg4[%add3A_168, %dma_wait3A_171] : memref<16384x2048xf32, #tpu.memory_space<hbm>> -> memref<8x2048xf32, #tpu.memory_space<hbm>>
        tpu.wait_dma2 semaphore(%arg19 : memref<!tpu.dma_semaphore, #tpu.memory_space<semaphore_mem>>) src(%arg13 : memref<8x2048xf32, #tpu.memory_space<vmem>>) dst(%dma_wait3A_172 : memref<8x2048xf32, #tpu.memory_space<hbm>>)
      } else {
      }
      %parallel_loop3A_148 = arith.constant 0 : i32
      %parallel_loop3A_149 = arith.constant 128 : i32
      %parallel_loop3A_150 = arith.constant 1 : i32
      scf.for %parallel_loop3A_165 = %parallel_loop3A_148 to %parallel_loop3A_149 step %parallel_loop3A_150  : i32 {
        %parallel_loop3A_166 = arith.constant 16 : i32
        %parallel_loop3A_167 = arith.muli %parallel_loop3A_165, %parallel_loop3A_166 : i32
        %parallel_loop3A_168 = arith.index_cast %parallel_loop3A_167 : i32 to index
        %parallel_loop3A_169 = tpu.vector_load %arg6[%parallel_loop3A_168] {strides = array<i32>} : memref<2048xi32, #tpu.memory_space<vmem>>, vector<16xi32>,
        %parallel_loop3A_170 = arith.constant 0 : i32
        %parallel_loop3A_171 = vector.broadcast %parallel_loop3A_170 : i32 to vector<16xi32>
        %parallel_loop3A_172 = tpu.vector_load_idx %arg10[%parallel_loop3A_171, %parallel_loop3A_169] : memref<8x2048xf32, #tpu.memory_space<vmem>>[vector<16xi32>, vector<16xi32>], vector<16xf32>,
        %parallel_loop3A_173 = arith.constant 16 : i32
        %parallel_loop3A_174 = arith.muli %parallel_loop3A_165, %parallel_loop3A_173 : i32
        %parallel_loop3A_175 = arith.constant 0 : i32
        %parallel_loop3A_176 = arith.index_cast %parallel_loop3A_175 : i32 to index
        %parallel_loop3A_177 = arith.index_cast %parallel_loop3A_174 : i32 to index
        %parallel_loop3A_178 = tpu.vector_load %arg13[%parallel_loop3A_176, %parallel_loop3A_177] {strides = array<i32>} : memref<8x2048xf32, #tpu.memory_space<vmem>>, vector<16xf32>,
        tpu.vector_store %arg13[%parallel_loop3A_176, %parallel_loop3A_177], %parallel_loop3A_172 {strides = array<i32>} : memref<8x2048xf32, #tpu.memory_space<vmem>>, vector<16xf32>,
        %parallel_loop3A_179 = arith.constant 1 : i32
        %parallel_loop3A_180 = vector.broadcast %parallel_loop3A_179 : i32 to vector<16xi32>
        %parallel_loop3A_181 = tpu.vector_load_idx %arg10[%parallel_loop3A_180, %parallel_loop3A_169] : memref<8x2048xf32, #tpu.memory_space<vmem>>[vector<16xi32>, vector<16xi32>], vector<16xf32>,
        %parallel_loop3A_182 = arith.constant 16 : i32
        %parallel_loop3A_183 = arith.muli %parallel_loop3A_165, %parallel_loop3A_182 : i32
        %parallel_loop3A_184 = arith.constant 1 : i32
        %parallel_loop3A_185 = arith.index_cast %parallel_loop3A_184 : i32 to index
        %parallel_loop3A_186 = arith.index_cast %parallel_loop3A_183 : i32 to index
        %parallel_loop3A_187 = tpu.vector_load %arg13[%parallel_loop3A_185, %parallel_loop3A_186] {strides = array<i32>} : memref<8x2048xf32, #tpu.memory_space<vmem>>, vector<16xf32>,
        tpu.vector_store %arg13[%parallel_loop3A_185, %parallel_loop3A_186], %parallel_loop3A_181 {strides = array<i32>} : memref<8x2048xf32, #tpu.memory_space<vmem>>, vector<16xf32>,
        %parallel_loop3A_188 = arith.constant 2 : i32
        %parallel_loop3A_189 = vector.broadcast %parallel_loop3A_188 : i32 to vector<16xi32>
        %parallel_loop3A_190 = tpu.vector_load_idx %arg10[%parallel_loop3A_189, %parallel_loop3A_169] : memref<8x2048xf32, #tpu.memory_space<vmem>>[vector<16xi32>, vector<16xi32>], vector<16xf32>,
        %parallel_loop3A_191 = arith.constant 16 : i32
        %parallel_loop3A_192 = arith.muli %parallel_loop3A_165, %parallel_loop3A_191 : i32
        %parallel_loop3A_193 = arith.constant 2 : i32
        %parallel_loop3A_194 = arith.index_cast %parallel_loop3A_193 : i32 to index
        %parallel_loop3A_195 = arith.index_cast %parallel_loop3A_192 : i32 to index
        %parallel_loop3A_196 = tpu.vector_load %arg13[%parallel_loop3A_194, %parallel_loop3A_195] {strides = array<i32>} : memref<8x2048xf32, #tpu.memory_space<vmem>>, vector<16xf32>,
        tpu.vector_store %arg13[%parallel_loop3A_194, %parallel_loop3A_195], %parallel_loop3A_190 {strides = array<i32>} : memref<8x2048xf32, #tpu.memory_space<vmem>>, vector<16xf32>,
        %parallel_loop3A_197 = arith.constant 3 : i32
        %parallel_loop3A_198 = vector.broadcast %parallel_loop3A_197 : i32 to vector<16xi32>
        %parallel_loop3A_199 = tpu.vector_load_idx %arg10[%parallel_loop3A_198, %parallel_loop3A_169] : memref<8x2048xf32, #tpu.memory_space<vmem>>[vector<16xi32>, vector<16xi32>], vector<16xf32>,
        %parallel_loop3A_200 = arith.constant 16 : i32
        %parallel_loop3A_201 = arith.muli %parallel_loop3A_165, %parallel_loop3A_200 : i32
        %parallel_loop3A_202 = arith.constant 3 : i32
        %parallel_loop3A_203 = arith.index_cast %parallel_loop3A_202 : i32 to index
        %parallel_loop3A_204 = arith.index_cast %parallel_loop3A_201 : i32 to index
        %parallel_loop3A_205 = tpu.vector_load %arg13[%parallel_loop3A_203, %parallel_loop3A_204] {strides = array<i32>} : memref<8x2048xf32, #tpu.memory_space<vmem>>, vector<16xf32>,
        tpu.vector_store %arg13[%parallel_loop3A_203, %parallel_loop3A_204], %parallel_loop3A_199 {strides = array<i32>} : memref<8x2048xf32, #tpu.memory_space<vmem>>, vector<16xf32>,
        %parallel_loop3A_206 = arith.constant 4 : i32
        %parallel_loop3A_207 = vector.broadcast %parallel_loop3A_206 : i32 to vector<16xi32>
        %parallel_loop3A_208 = tpu.vector_load_idx %arg10[%parallel_loop3A_207, %parallel_loop3A_169] : memref<8x2048xf32, #tpu.memory_space<vmem>>[vector<16xi32>, vector<16xi32>], vector<16xf32>,
        %parallel_loop3A_209 = arith.constant 16 : i32
        %parallel_loop3A_210 = arith.muli %parallel_loop3A_165, %parallel_loop3A_209 : i32
        %parallel_loop3A_211 = arith.constant 4 : i32
        %parallel_loop3A_212 = arith.index_cast %parallel_loop3A_211 : i32 to index
        %parallel_loop3A_213 = arith.index_cast %parallel_loop3A_210 : i32 to index
        %parallel_loop3A_214 = tpu.vector_load %arg13[%parallel_loop3A_212, %parallel_loop3A_213] {strides = array<i32>} : memref<8x2048xf32, #tpu.memory_space<vmem>>, vector<16xf32>,
        tpu.vector_store %arg13[%parallel_loop3A_212, %parallel_loop3A_213], %parallel_loop3A_208 {strides = array<i32>} : memref<8x2048xf32, #tpu.memory_space<vmem>>, vector<16xf32>,
        %parallel_loop3A_215 = arith.constant 5 : i32
        %parallel_loop3A_216 = vector.broadcast %parallel_loop3A_215 : i32 to vector<16xi32>
        %parallel_loop3A_217 = tpu.vector_load_idx %arg10[%parallel_loop3A_216, %parallel_loop3A_169] : memref<8x2048xf32, #tpu.memory_space<vmem>>[vector<16xi32>, vector<16xi32>], vector<16xf32>,
        %parallel_loop3A_218 = arith.constant 16 : i32
        %parallel_loop3A_219 = arith.muli %parallel_loop3A_165, %parallel_loop3A_218 : i32
        %parallel_loop3A_220 = arith.constant 5 : i32
        %parallel_loop3A_221 = arith.index_cast %parallel_loop3A_220 : i32 to index
        %parallel_loop3A_222 = arith.index_cast %parallel_loop3A_219 : i32 to index
        %parallel_loop3A_223 = tpu.vector_load %arg13[%parallel_loop3A_221, %parallel_loop3A_222] {strides = array<i32>} : memref<8x2048xf32, #tpu.memory_space<vmem>>, vector<16xf32>,
        tpu.vector_store %arg13[%parallel_loop3A_221, %parallel_loop3A_222], %parallel_loop3A_217 {strides = array<i32>} : memref<8x2048xf32, #tpu.memory_space<vmem>>, vector<16xf32>,
        %parallel_loop3A_224 = arith.constant 6 : i32
        %parallel_loop3A_225 = vector.broadcast %parallel_loop3A_224 : i32 to vector<16xi32>
        %parallel_loop3A_226 = tpu.vector_load_idx %arg10[%parallel_loop3A_225, %parallel_loop3A_169] : memref<8x2048xf32, #tpu.memory_space<vmem>>[vector<16xi32>, vector<16xi32>], vector<16xf32>,
        %parallel_loop3A_227 = arith.constant 16 : i32
        %parallel_loop3A_228 = arith.muli %parallel_loop3A_165, %parallel_loop3A_227 : i32
        %parallel_loop3A_229 = arith.constant 6 : i32
        %parallel_loop3A_230 = arith.index_cast %parallel_loop3A_229 : i32 to index
        %parallel_loop3A_231 = arith.index_cast %parallel_loop3A_228 : i32 to index
        %parallel_loop3A_232 = tpu.vector_load %arg13[%parallel_loop3A_230, %parallel_loop3A_231] {strides = array<i32>} : memref<8x2048xf32, #tpu.memory_space<vmem>>, vector<16xf32>,
        tpu.vector_store %arg13[%parallel_loop3A_230, %parallel_loop3A_231], %parallel_loop3A_226 {strides = array<i32>} : memref<8x2048xf32, #tpu.memory_space<vmem>>, vector<16xf32>,
        %parallel_loop3A_233 = arith.constant 7 : i32
        %parallel_loop3A_234 = vector.broadcast %parallel_loop3A_233 : i32 to vector<16xi32>
        %parallel_loop3A_235 = tpu.vector_load_idx %arg10[%parallel_loop3A_234, %parallel_loop3A_169] : memref<8x2048xf32, #tpu.memory_space<vmem>>[vector<16xi32>, vector<16xi32>], vector<16xf32>,
        %parallel_loop3A_236 = arith.constant 16 : i32
        %parallel_loop3A_237 = arith.muli %parallel_loop3A_165, %parallel_loop3A_236 : i32
        %parallel_loop3A_238 = arith.constant 7 : i32
        %parallel_loop3A_239 = arith.index_cast %parallel_loop3A_238 : i32 to index
        %parallel_loop3A_240 = arith.index_cast %parallel_loop3A_237 : i32 to index
        %parallel_loop3A_241 = tpu.vector_load %arg13[%parallel_loop3A_239, %parallel_loop3A_240] {strides = array<i32>} : memref<8x2048xf32, #tpu.memory_space<vmem>>, vector<16xf32>,
        tpu.vector_store %arg13[%parallel_loop3A_239, %parallel_loop3A_240], %parallel_loop3A_235 {strides = array<i32>} : memref<8x2048xf32, #tpu.memory_space<vmem>>, vector<16xf32>,
      } {sc.loop_unroll_factor = 4 : i64, sc.parallel_access}
      %add3A_151 = arith.constant 3 : i32
      %add3A_152 = arith.addi %add3A_135, %add3A_151 : i32
      %lt3A_153 = arith.constant 64 : i32
      %lt3A_154 = arith.cmpi slt, %add3A_152, %lt3A_153 : i32
      %convert_element_type3A_155 = arith.extui %lt3A_154 : i1 to i32
      %cond3A_156 = arith.constant 0 : i32
      %cond3A_157 = arith.cmpi ne, %convert_element_type3A_155, %cond3A_156 : i32
      scf.if %cond3A_157 {
        %add3A_165 = arith.constant 3 : i32
        %add3A_166 = arith.addi %add3A_135, %add3A_165 : i32
        %mul3A_167 = arith.constant 8 : i32
        %mul3A_168 = arith.muli %add3A_166, %mul3A_167 : i32
        %add3A_169 = arith.addi %mul3A_2, %mul3A_168 : i32
        %dma_start3A_170 = arith.constant 0 : i32
        %dma_start3A_171 = tpu.memref_slice %arg2[%add3A_169, %dma_start3A_170] : memref<16384x2048xf32, #tpu.memory_space<hbm>> -> memref<8x2048xf32, #tpu.memory_space<hbm>>
        %dma_start3A_172 = arith.constant 0 : i32
        %dma_start3A_173 = tpu.memref_slice %arg2[%add3A_169, %dma_start3A_172] : memref<16384x2048xf32, #tpu.memory_space<hbm>> -> memref<8x2048xf32, #tpu.memory_space<hbm>>
        tpu.enqueue_dma source(%dma_start3A_173 : memref<8x2048xf32, #tpu.memory_space<hbm>>) target(%arg10 : memref<8x2048xf32, #tpu.memory_space<vmem>>) target_semaphore(%arg16 : memref<!tpu.dma_semaphore, #tpu.memory_space<semaphore_mem>>)
      } else {
      }
      %mul3A_158 = arith.constant 8 : i32
      %mul3A_159 = arith.muli %add3A_135, %mul3A_158 : i32
      %add3A_160 = arith.addi %mul3A_2, %mul3A_159 : i32
      %dma_start3A_161 = arith.constant 0 : i32
      %dma_start3A_162 = tpu.memref_slice %arg4[%add3A_160, %dma_start3A_161] : memref<16384x2048xf32, #tpu.memory_space<hbm>> -> memref<8x2048xf32, #tpu.memory_space<hbm>>
      %dma_start3A_163 = arith.constant 0 : i32
      %dma_start3A_164 = tpu.memref_slice %arg4[%add3A_160, %dma_start3A_163] : memref<16384x2048xf32, #tpu.memory_space<hbm>> -> memref<8x2048xf32, #tpu.memory_space<hbm>>
      tpu.enqueue_dma source(%arg13 : memref<8x2048xf32, #tpu.memory_space<vmem>>) target(%dma_start3A_164 : memref<8x2048xf32, #tpu.memory_space<hbm>>) target_semaphore(%arg19 : memref<!tpu.dma_semaphore, #tpu.memory_space<semaphore_mem>>)
    }
    %scan3A_28 = arith.constant 21 : i32
    %add3A_29 = arith.constant 504 : i32
    %add3A_30 = arith.addi %mul3A_2, %add3A_29 : i32
    %dma_wait3A = arith.constant 0 : i32
    %dma_wait3A_31 = tpu.memref_slice %arg2[%add3A_30, %dma_wait3A] : memref<16384x2048xf32, #tpu.memory_space<hbm>> -> memref<8x2048xf32, #tpu.memory_space<hbm>>
    %dma_wait3A_32 = arith.constant 0 : i32
    %dma_wait3A_33 = tpu.memref_slice %arg2[%add3A_30, %dma_wait3A_32] : memref<16384x2048xf32, #tpu.memory_space<hbm>> -> memref<8x2048xf32, #tpu.memory_space<hbm>>
    tpu.wait_dma2 semaphore(%arg14 : memref<!tpu.dma_semaphore, #tpu.memory_space<semaphore_mem>>) src(%dma_wait3A_33 : memref<8x2048xf32, #tpu.memory_space<hbm>>) dst(%arg8 : memref<8x2048xf32, #tpu.memory_space<vmem>>)
    %add3A_34 = arith.constant 480 : i32
    %add3A_35 = arith.addi %mul3A_2, %add3A_34 : i32
    %dma_wait3A_36 = arith.constant 0 : i32
    %dma_wait3A_37 = tpu.memref_slice %arg4[%add3A_35, %dma_wait3A_36] : memref<16384x2048xf32, #tpu.memory_space<hbm>> -> memref<8x2048xf32, #tpu.memory_space<hbm>>
    %dma_wait3A_38 = arith.constant 0 : i32
    %dma_wait3A_39 = tpu.memref_slice %arg4[%add3A_35, %dma_wait3A_38] : memref<16384x2048xf32, #tpu.memory_space<hbm>> -> memref<8x2048xf32, #tpu.memory_space<hbm>>
    tpu.wait_dma2 semaphore(%arg17 : memref<!tpu.dma_semaphore, #tpu.memory_space<semaphore_mem>>) src(%arg11 : memref<8x2048xf32, #tpu.memory_space<vmem>>) dst(%dma_wait3A_39 : memref<8x2048xf32, #tpu.memory_space<hbm>>)
    %parallel_loop3A_40 = arith.constant 0 : i32
    %parallel_loop3A_41 = arith.constant 128 : i32
    %parallel_loop3A_42 = arith.constant 1 : i32
    scf.for %parallel_loop3A_69 = %parallel_loop3A_40 to %parallel_loop3A_41 step %parallel_loop3A_42  : i32 {
      %parallel_loop3A_70 = arith.constant 16 : i32
      %parallel_loop3A_71 = arith.muli %parallel_loop3A_69, %parallel_loop3A_70 : i32
      %parallel_loop3A_72 = arith.index_cast %parallel_loop3A_71 : i32 to index
      %parallel_loop3A_73 = tpu.vector_load %arg6[%parallel_loop3A_72] {strides = array<i32>} : memref<2048xi32, #tpu.memory_space<vmem>>, vector<16xi32>,
      %parallel_loop3A_74 = arith.constant 0 : i32
      %parallel_loop3A_75 = vector.broadcast %parallel_loop3A_74 : i32 to vector<16xi32>
      %parallel_loop3A_76 = tpu.vector_load_idx %arg8[%parallel_loop3A_75, %parallel_loop3A_73] : memref<8x2048xf32, #tpu.memory_space<vmem>>[vector<16xi32>, vector<16xi32>], vector<16xf32>,
      %parallel_loop3A_77 = arith.constant 16 : i32
      %parallel_loop3A_78 = arith.muli %parallel_loop3A_69, %parallel_loop3A_77 : i32
      %parallel_loop3A_79 = arith.constant 0 : i32
      %parallel_loop3A_80 = arith.index_cast %parallel_loop3A_79 : i32 to index
      %parallel_loop3A_81 = arith.index_cast %parallel_loop3A_78 : i32 to index
      %parallel_loop3A_82 = tpu.vector_load %arg11[%parallel_loop3A_80, %parallel_loop3A_81] {strides = array<i32>} : memref<8x2048xf32, #tpu.memory_space<vmem>>, vector<16xf32>,
      tpu.vector_store %arg11[%parallel_loop3A_80, %parallel_loop3A_81], %parallel_loop3A_76 {strides = array<i32>} : memref<8x2048xf32, #tpu.memory_space<vmem>>, vector<16xf32>,
      %parallel_loop3A_83 = arith.constant 1 : i32
      %parallel_loop3A_84 = vector.broadcast %parallel_loop3A_83 : i32 to vector<16xi32>
      %parallel_loop3A_85 = tpu.vector_load_idx %arg8[%parallel_loop3A_84, %parallel_loop3A_73] : memref<8x2048xf32, #tpu.memory_space<vmem>>[vector<16xi32>, vector<16xi32>], vector<16xf32>,
      %parallel_loop3A_86 = arith.constant 16 : i32
      %parallel_loop3A_87 = arith.muli %parallel_loop3A_69, %parallel_loop3A_86 : i32
      %parallel_loop3A_88 = arith.constant 1 : i32
      %parallel_loop3A_89 = arith.index_cast %parallel_loop3A_88 : i32 to index
      %parallel_loop3A_90 = arith.index_cast %parallel_loop3A_87 : i32 to index
      %parallel_loop3A_91 = tpu.vector_load %arg11[%parallel_loop3A_89, %parallel_loop3A_90] {strides = array<i32>} : memref<8x2048xf32, #tpu.memory_space<vmem>>, vector<16xf32>,
      tpu.vector_store %arg11[%parallel_loop3A_89, %parallel_loop3A_90], %parallel_loop3A_85 {strides = array<i32>} : memref<8x2048xf32, #tpu.memory_space<vmem>>, vector<16xf32>,
      %parallel_loop3A_92 = arith.constant 2 : i32
      %parallel_loop3A_93 = vector.broadcast %parallel_loop3A_92 : i32 to vector<16xi32>
      %parallel_loop3A_94 = tpu.vector_load_idx %arg8[%parallel_loop3A_93, %parallel_loop3A_73] : memref<8x2048xf32, #tpu.memory_space<vmem>>[vector<16xi32>, vector<16xi32>], vector<16xf32>,
      %parallel_loop3A_95 = arith.constant 16 : i32
      %parallel_loop3A_96 = arith.muli %parallel_loop3A_69, %parallel_loop3A_95 : i32
      %parallel_loop3A_97 = arith.constant 2 : i32
      %parallel_loop3A_98 = arith.index_cast %parallel_loop3A_97 : i32 to index
      %parallel_loop3A_99 = arith.index_cast %parallel_loop3A_96 : i32 to index
      %parallel_loop3A_100 = tpu.vector_load %arg11[%parallel_loop3A_98, %parallel_loop3A_99] {strides = array<i32>} : memref<8x2048xf32, #tpu.memory_space<vmem>>, vector<16xf32>,
      tpu.vector_store %arg11[%parallel_loop3A_98, %parallel_loop3A_99], %parallel_loop3A_94 {strides = array<i32>} : memref<8x2048xf32, #tpu.memory_space<vmem>>, vector<16xf32>,
      %parallel_loop3A_101 = arith.constant 3 : i32
      %parallel_loop3A_102 = vector.broadcast %parallel_loop3A_101 : i32 to vector<16xi32>
      %parallel_loop3A_103 = tpu.vector_load_idx %arg8[%parallel_loop3A_102, %parallel_loop3A_73] : memref<8x2048xf32, #tpu.memory_space<vmem>>[vector<16xi32>, vector<16xi32>], vector<16xf32>,
      %parallel_loop3A_104 = arith.constant 16 : i32
      %parallel_loop3A_105 = arith.muli %parallel_loop3A_69, %parallel_loop3A_104 : i32
      %parallel_loop3A_106 = arith.constant 3 : i32
      %parallel_loop3A_107 = arith.index_cast %parallel_loop3A_106 : i32 to index
      %parallel_loop3A_108 = arith.index_cast %parallel_loop3A_105 : i32 to index
      %parallel_loop3A_109 = tpu.vector_load %arg11[%parallel_loop3A_107, %parallel_loop3A_108] {strides = array<i32>} : memref<8x2048xf32, #tpu.memory_space<vmem>>, vector<16xf32>,
      tpu.vector_store %arg11[%parallel_loop3A_107, %parallel_loop3A_108], %parallel_loop3A_103 {strides = array<i32>} : memref<8x2048xf32, #tpu.memory_space<vmem>>, vector<16xf32>,
      %parallel_loop3A_110 = arith.constant 4 : i32
      %parallel_loop3A_111 = vector.broadcast %parallel_loop3A_110 : i32 to vector<16xi32>
      %parallel_loop3A_112 = tpu.vector_load_idx %arg8[%parallel_loop3A_111, %parallel_loop3A_73] : memref<8x2048xf32, #tpu.memory_space<vmem>>[vector<16xi32>, vector<16xi32>], vector<16xf32>,
      %parallel_loop3A_113 = arith.constant 16 : i32
      %parallel_loop3A_114 = arith.muli %parallel_loop3A_69, %parallel_loop3A_113 : i32
      %parallel_loop3A_115 = arith.constant 4 : i32
      %parallel_loop3A_116 = arith.index_cast %parallel_loop3A_115 : i32 to index
      %parallel_loop3A_117 = arith.index_cast %parallel_loop3A_114 : i32 to index
      %parallel_loop3A_118 = tpu.vector_load %arg11[%parallel_loop3A_116, %parallel_loop3A_117] {strides = array<i32>} : memref<8x2048xf32, #tpu.memory_space<vmem>>, vector<16xf32>,
      tpu.vector_store %arg11[%parallel_loop3A_116, %parallel_loop3A_117], %parallel_loop3A_112 {strides = array<i32>} : memref<8x2048xf32, #tpu.memory_space<vmem>>, vector<16xf32>,
      %parallel_loop3A_119 = arith.constant 5 : i32
      %parallel_loop3A_120 = vector.broadcast %parallel_loop3A_119 : i32 to vector<16xi32>
      %parallel_loop3A_121 = tpu.vector_load_idx %arg8[%parallel_loop3A_120, %parallel_loop3A_73] : memref<8x2048xf32, #tpu.memory_space<vmem>>[vector<16xi32>, vector<16xi32>], vector<16xf32>,
      %parallel_loop3A_122 = arith.constant 16 : i32
      %parallel_loop3A_123 = arith.muli %parallel_loop3A_69, %parallel_loop3A_122 : i32
      %parallel_loop3A_124 = arith.constant 5 : i32
      %parallel_loop3A_125 = arith.index_cast %parallel_loop3A_124 : i32 to index
      %parallel_loop3A_126 = arith.index_cast %parallel_loop3A_123 : i32 to index
      %parallel_loop3A_127 = tpu.vector_load %arg11[%parallel_loop3A_125, %parallel_loop3A_126] {strides = array<i32>} : memref<8x2048xf32, #tpu.memory_space<vmem>>, vector<16xf32>,
      tpu.vector_store %arg11[%parallel_loop3A_125, %parallel_loop3A_126], %parallel_loop3A_121 {strides = array<i32>} : memref<8x2048xf32, #tpu.memory_space<vmem>>, vector<16xf32>,
      %parallel_loop3A_128 = arith.constant 6 : i32
      %parallel_loop3A_129 = vector.broadcast %parallel_loop3A_128 : i32 to vector<16xi32>
      %parallel_loop3A_130 = tpu.vector_load_idx %arg8[%parallel_loop3A_129, %parallel_loop3A_73] : memref<8x2048xf32, #tpu.memory_space<vmem>>[vector<16xi32>, vector<16xi32>], vector<16xf32>,
      %parallel_loop3A_131 = arith.constant 16 : i32
      %parallel_loop3A_132 = arith.muli %parallel_loop3A_69, %parallel_loop3A_131 : i32
      %parallel_loop3A_133 = arith.constant 6 : i32
      %parallel_loop3A_134 = arith.index_cast %parallel_loop3A_133 : i32 to index
      %parallel_loop3A_135 = arith.index_cast %parallel_loop3A_132 : i32 to index
      %parallel_loop3A_136 = tpu.vector_load %arg11[%parallel_loop3A_134, %parallel_loop3A_135] {strides = array<i32>} : memref<8x2048xf32, #tpu.memory_space<vmem>>, vector<16xf32>,
      tpu.vector_store %arg11[%parallel_loop3A_134, %parallel_loop3A_135], %parallel_loop3A_130 {strides = array<i32>} : memref<8x2048xf32, #tpu.memory_space<vmem>>, vector<16xf32>,
      %parallel_loop3A_137 = arith.constant 7 : i32
      %parallel_loop3A_138 = vector.broadcast %parallel_loop3A_137 : i32 to vector<16xi32>
      %parallel_loop3A_139 = tpu.vector_load_idx %arg8[%parallel_loop3A_138, %parallel_loop3A_73] : memref<8x2048xf32, #tpu.memory_space<vmem>>[vector<16xi32>, vector<16xi32>], vector<16xf32>,
      %parallel_loop3A_140 = arith.constant 16 : i32
      %parallel_loop3A_141 = arith.muli %parallel_loop3A_69, %parallel_loop3A_140 : i32
      %parallel_loop3A_142 = arith.constant 7 : i32
      %parallel_loop3A_143 = arith.index_cast %parallel_loop3A_142 : i32 to index
      %parallel_loop3A_144 = arith.index_cast %parallel_loop3A_141 : i32 to index
      %parallel_loop3A_145 = tpu.vector_load %arg11[%parallel_loop3A_143, %parallel_loop3A_144] {strides = array<i32>} : memref<8x2048xf32, #tpu.memory_space<vmem>>, vector<16xf32>,
      tpu.vector_store %arg11[%parallel_loop3A_143, %parallel_loop3A_144], %parallel_loop3A_139 {strides = array<i32>} : memref<8x2048xf32, #tpu.memory_space<vmem>>, vector<16xf32>,
    } {sc.loop_unroll_factor = 4 : i64, sc.parallel_access}
    %add3A_43 = arith.constant 504 : i32
    %add3A_44 = arith.addi %mul3A_2, %add3A_43 : i32
    %dma_start3A_45 = arith.constant 0 : i32
    %dma_start3A_46 = tpu.memref_slice %arg4[%add3A_44, %dma_start3A_45] : memref<16384x2048xf32, #tpu.memory_space<hbm>> -> memref<8x2048xf32, #tpu.memory_space<hbm>>
    %dma_start3A_47 = arith.constant 0 : i32
    %dma_start3A_48 = tpu.memref_slice %arg4[%add3A_44, %dma_start3A_47] : memref<16384x2048xf32, #tpu.memory_space<hbm>> -> memref<8x2048xf32, #tpu.memory_space<hbm>>
    tpu.enqueue_dma source(%arg11 : memref<8x2048xf32, #tpu.memory_space<vmem>>) target(%dma_start3A_48 : memref<8x2048xf32, #tpu.memory_space<hbm>>) target_semaphore(%arg17 : memref<!tpu.dma_semaphore, #tpu.memory_space<semaphore_mem>>)
    %dma_wait3A_49 = tpu.memref_slice %arg5[%mul3A_2] : memref<16384xf32, #tpu.memory_space<hbm>> -> memref<512xf32, #tpu.memory_space<hbm>>
    %dma_wait3A_50 = tpu.memref_slice %arg5[%mul3A_2] : memref<16384xf32, #tpu.memory_space<hbm>> -> memref<512xf32, #tpu.memory_space<hbm>>
    tpu.wait_dma2 semaphore(%arg20 : memref<!tpu.dma_semaphore, #tpu.memory_space<semaphore_mem>>) src(%arg7 : memref<512xf32, #tpu.memory_space<vmem>>) dst(%dma_wait3A_50 : memref<512xf32, #tpu.memory_space<hbm>>)
    %add3A_51 = arith.constant 488 : i32
    %add3A_52 = arith.addi %mul3A_2, %add3A_51 : i32
    %dma_wait3A_53 = arith.constant 0 : i32
    %dma_wait3A_54 = tpu.memref_slice %arg4[%add3A_52, %dma_wait3A_53] : memref<16384x2048xf32, #tpu.memory_space<hbm>> -> memref<8x2048xf32, #tpu.memory_space<hbm>>
    %dma_wait3A_55 = arith.constant 0 : i32
    %dma_wait3A_56 = tpu.memref_slice %arg4[%add3A_52, %dma_wait3A_55] : memref<16384x2048xf32, #tpu.memory_space<hbm>> -> memref<8x2048xf32, #tpu.memory_space<hbm>>
    tpu.wait_dma2 semaphore(%arg18 : memref<!tpu.dma_semaphore, #tpu.memory_space<semaphore_mem>>) src(%arg12 : memref<8x2048xf32, #tpu.memory_space<vmem>>) dst(%dma_wait3A_56 : memref<8x2048xf32, #tpu.memory_space<hbm>>)
    %add3A_57 = arith.constant 496 : i32
    %add3A_58 = arith.addi %mul3A_2, %add3A_57 : i32
    %dma_wait3A_59 = arith.constant 0 : i32
    %dma_wait3A_60 = tpu.memref_slice %arg4[%add3A_58, %dma_wait3A_59] : memref<16384x2048xf32, #tpu.memory_space<hbm>> -> memref<8x2048xf32, #tpu.memory_space<hbm>>
    %dma_wait3A_61 = arith.constant 0 : i32
    %dma_wait3A_62 = tpu.memref_slice %arg4[%add3A_58, %dma_wait3A_61] : memref<16384x2048xf32, #tpu.memory_space<hbm>> -> memref<8x2048xf32, #tpu.memory_space<hbm>>
    tpu.wait_dma2 semaphore(%arg19 : memref<!tpu.dma_semaphore, #tpu.memory_space<semaphore_mem>>) src(%arg13 : memref<8x2048xf32, #tpu.memory_space<vmem>>) dst(%dma_wait3A_62 : memref<8x2048xf32, #tpu.memory_space<hbm>>)
    %add3A_63 = arith.constant 504 : i32
    %add3A_64 = arith.addi %mul3A_2, %add3A_63 : i32
    %dma_wait3A_65 = arith.constant 0 : i32
    %dma_wait3A_66 = tpu.memref_slice %arg4[%add3A_64, %dma_wait3A_65] : memref<16384x2048xf32, #tpu.memory_space<hbm>> -> memref<8x2048xf32, #tpu.memory_space<hbm>>
    %dma_wait3A_67 = arith.constant 0 : i32
    %dma_wait3A_68 = tpu.memref_slice %arg4[%add3A_64, %dma_wait3A_67] : memref<16384x2048xf32, #tpu.memory_space<hbm>> -> memref<8x2048xf32, #tpu.memory_space<hbm>>
    tpu.wait_dma2 semaphore(%arg17 : memref<!tpu.dma_semaphore, #tpu.memory_space<semaphore_mem>>) src(%arg11 : memref<8x2048xf32, #tpu.memory_space<vmem>>) dst(%dma_wait3A_68 : memref<8x2048xf32, #tpu.memory_space<hbm>>)
    return
  }
}

</mosaic_0001>

<sc_bundles>
// kernel: kernel.3.cloned.1.call-start
scs
__scs_entry_jumppad:
0x0: {  	(pc) =	sbr.rel $0x88, $3  }
0x1: {  	(tag) =	ssettag $0x0;
	lr =	simm.s32 $0x1  }
0x2: {  	[smem:$0x3F9F] =	sst lr;
	_ =	strace $0xD0000000  }
0x3: {  	_ = 	snop  }
0x4: {  	_ = 	snop  }
0x5: {  	_ = 	snop  }
0x6: {  	_ = 	snop  }
0x7: {  	_ = 	snop  }
__scs_overlays_trampoline_lowered:
0x8: {  	[smem:$0x3FAE] =	sst s0  }
0x9: {  	[smem:$0x3FAF] =	sst s1  }
0xa: {  	[smem:$0x3FB0] =	sst s2  }
0xb: {  	[smem:$0x3FB1] =	sst s3  }
0xc: {  	[smem:$0x3FB2] =	sst s4  }
0xd: {  	[smem:$0x3FB3] =	sst s5  }
0xe: {  	[smem:$0x3FB4] =	sst s6  }
0xf: {  	[smem:$0x3FB5] =	sst s7  }
0x10: {  	[smem:$0x3FB6] =	sst s8  }
0x11: {  	[smem:$0x3FB7] =	sst s9;
	s0 =	simm.s32 @!p0 $0x0  }
0x12: {  	s1 =	sld [smem:$0x3F9D];
	s0 =	simm.s32 @p0 $0x1  }
0x13: {  	[smem:$0x3FB8] =	sst s0;
	s0 =	simm.s32 @!p1 $0x0  }
0x14: {  	s2 =	sld [smem:$0x3F9C];
	s0 =	simm.s32 @p1 $0x1  }
0x15: {  	[smem:$0x3FB9] =	sst s0;
	s0 =	simm.s32 @!p2 $0x0  }
0x16: {  	s3 =	sld [smem:$0x3FDB];
	s0 =	simm.s32 @p2 $0x1  }
0x17: {  	s4 =	simm.s32 $0x1BF5;
	[smem:$0x3FBB] =	sst s0  }
0x18: {  	s0 =	sld [smem:$0x3F9E];
	_ =	swait.ge [sflag:s4], $0x0  }
0x19: {  	s7 =	sld [smem:$0x3F9F]  }
0x1a: {  	s8 =	sadd.s32 $0xFFFFE003, lr  }
0x1b: {  	s9 =	sadd.s32 $0xFFFFFEF7, lr;
	s5 =	simm.s32 $0xFFFFFFFF;
	p2 =	slt.u32 s8, $0xFFFFF086  }
0x1c: {  	p1 =	slt.u32 s9, $0xF7A;
	s5 =	simm.s32 @!p2 $0x0  }
0x1d: {  	s5 =	simm.s32 @p1 $0x1;
	p0 =	seq.s32 s7, s2  }
0x1e: {  	s7 =	smul.u32 @!p0 $0xF7A, s2;
	p2 =	seq.s32 @!p0 s5, $0x0  }
0x1f: {  	s9 =	smul.u32 $0xF7A, s1;
	s8 =	simm.s32 @!p0 $0x1BF5;
	p2 =	por !p2, p0  }
0x20: {  	[sflag:s8] =	ssyncset.s32 @!p0 $0xFFFFF086;
	s6 =	sadd.s32 @!p0 s3, s7;
	s7 =	simm.s32 @!p0 $0x108  }
0x21: {  	s3 =	sadd.s32 s3, s9;
	s6 =	sadd.s32 @!p0 $0x88, s6;
	s7 =	simm.s32 @p2 $0x1082  }
0x22: {  	[simem:s7], [sflag:s8] =	dma.local @!p0 [hbm:s6], $0xF7A  }
0x23: {  	s9 =	sor.u32 $0xD0000000, s2;
	s6 =	simm.s32 $0x108;
	_ =	swait.ge @!p0 [sflag:s8], $0x0  }
0x24: {  	s3 =	sadd.s32 $0x88, s3;
	s6 =	simm.s32 @!p1 $0x1082;
	[sflag:s4] =	ssyncset.s32 $0xFFFFF086  }
0x25: {  	[simem:s6], [sflag:s4] =	dma.local [hbm:s3], $0xF7A  }
0x26: {  	[smem:$0x3F9F] =	sst s1;
	(tag) =	ssettag s2;
	_ =	strace s9  }
0x27: {  	s1 =	sld [smem:$0x3FAF]  }
0x28: {  	s2 =	sld [smem:$0x3FB0]  }
0x29: {  	s4 =	sld [smem:$0x3FB2]  }
0x2a: {  	p0 =	seq.s32 s5, $0x0;
	s5 =	sld [smem:$0x3FB3]  }
0x2b: {  	s6 =	sld [smem:$0x3FB4]  }
0x2c: {  	s7 =	sld [smem:$0x3FB5]  }
0x2d: {  	s3 =	simm.s32 $0x108;
	s8 =	sld [smem:$0x3FB6]  }
0x2e: {  	s3 =	simm.s32 @!p0 $0x1082;
	s9 =	sld [smem:$0x3FB7]  }
0x2f: {  	lr =	sadd.s32 s0, s3;
	s0 =	sld [smem:$0x3FAE]  }
0x30: {  	s3 =	sld [smem:$0x3FB1]  }
0x31: {  	[smem:$0x3FBA] =	sst s10  }
0x32: {  	s10 =	sld [smem:$0x3FB8];
	_ =	sdelay $0x3  }
0x33: {  	p0 =	seq.s32 s10, $0x1;
	s10 =	sld [smem:$0x3FBA];
	_ =	sdelay $0x3  }
0x34: {  	[smem:$0x3FBA] =	sst s10  }
0x35: {  	s10 =	sld [smem:$0x3FB9];
	_ =	sdelay $0x3  }
0x36: {  	p1 =	seq.s32 s10, $0x1;
	s10 =	sld [smem:$0x3FBA];
	_ =	sdelay $0x3  }
0x37: {  	[smem:$0x3FBA] =	sst s10  }
0x38: {  	s10 =	sld [smem:$0x3FBB]  }
0x39: {  	_ = 	snop;
	(pc) =	sbr.ind lr, $3  }
0x3a: {  	_ = 	snop  }
0x3b: {  	_ = 	snop  }
0x3c: {  	p2 =	seq.s32 s10, $0x1;
	s10 =	sld [smem:$0x3FBA]  }
0x3d: {  	_ =	shalt  }
0x3e: {  	_ =	shalt  }
0x3f: {  	_ =	shalt  }
0x40: {  	_ =	shalt  }
0x41: {  	_ =	shalt  }
0x42: {  	_ =	shalt  }
0x43: {  	_ =	shalt  }
0x44: {  	_ =	shalt  }
0x45: {  	_ =	shalt  }
0x46: {  	_ =	shalt  }
0x47: {  	_ =	shalt  }
0x48: {  	_ =	shalt  }
0x49: {  	_ =	shalt  }
0x4a: {  	_ =	shalt  }
0x4b: {  	_ =	shalt  }
0x4c: {  	_ =	shalt  }
0x4d: {  	_ =	shalt  }
0x4e: {  	_ =	shalt  }
0x4f: {  	_ =	shalt  }
0x50: {  	_ =	shalt  }
0x51: {  	_ =	shalt  }
0x52: {  	_ =	shalt  }
0x53: {  	_ =	shalt  }
0x54: {  	_ =	shalt  }
0x55: {  	_ =	shalt  }
0x56: {  	_ =	shalt  }
0x57: {  	_ =	shalt  }
0x58: {  	_ =	shalt  }
0x59: {  	_ =	shalt  }
0x5a: {  	_ =	shalt  }
0x5b: {  	_ =	shalt  }
0x5c: {  	_ =	shalt  }
0x5d: {  	_ =	shalt  }
0x5e: {  	_ =	shalt  }
0x5f: {  	_ =	shalt  }
0x60: {  	_ =	shalt  }
0x61: {  	_ =	shalt  }
0x62: {  	_ =	shalt  }
0x63: {  	_ =	shalt  }
0x64: {  	_ =	shalt  }
0x65: {  	_ =	shalt  }
0x66: {  	_ =	shalt  }
0x67: {  	_ =	shalt  }
0x68: {  	_ =	shalt  }
0x69: {  	_ =	shalt  }
0x6a: {  	_ =	shalt  }
0x6b: {  	_ =	shalt  }
0x6c: {  	_ =	shalt  }
0x6d: {  	_ =	shalt  }
0x6e: {  	_ =	shalt  }
0x6f: {  	_ =	shalt  }
0x70: {  	_ =	shalt  }
0x71: {  	_ =	shalt  }
0x72: {  	_ =	shalt  }
0x73: {  	_ =	shalt  }
0x74: {  	_ =	shalt  }
0x75: {  	_ =	shalt  }
0x76: {  	_ =	shalt  }
0x77: {  	_ =	shalt  }
0x78: {  	_ =	shalt  }
0x79: {  	_ =	shalt  }
0x7a: {  	_ =	shalt  }
0x7b: {  	_ =	shalt  }
0x7c: {  	_ =	shalt  }
0x7d: {  	_ =	shalt  }
0x7e: {  	_ =	shalt  }
0x7f: {  	_ =	shalt  }
0x80: {  	_ =	shalt  }
0x81: {  	_ =	shalt  }
0x82: {  	_ =	shalt  }
0x83: {  	_ =	shalt  }
0x84: {  	_ =	shalt  }
0x85: {  	_ =	shalt  }
0x86: {  	_ =	shalt  }
0x87: {  	_ =	shalt  }
.Lfunc_end0:
.L_simem_size_0:
called_computation_lowered:
.L_overlay_start_0:
0x88: {  	s2 =	sld [smem:$0x3FD9]  }
0x89: {  	s3 =	sld [smem:$0x3FFE];
	_ =	sdelay $0x1  }
0x8a: {  	s1 =	srdreg.scid  }
0x8b: {  	s0 =	sand.u32 $0x1, s1  }
0x8c: {  	s15 =	sshll.u32 s0, $0xA;
	s2 =	sadd.s32 s3, s2  }
0x8d: {  	s2 =	sadd.s32 s2, s15  }
0x8e: {  	[smem:$0x3FC6] =	sst s2  }
0x8f: {  	_ = 	snop  }
0x90: {  	s2 =	sld [smem:$0x3FD0];
	_ =	sdelay $0x1  }
0x91: {  	s16 =	sld [smem:$0x3FC9]  }
0x92: {  	s5 =	simm.s32 $0xA;
	s6 =	simm.s32 $0x10;
	s4 =	sld [smem:$0x3FC8]  }
0x93: {  	[smem:s6], [sflag:s5] =	dma.local [hbm:s2], $0x1  }
0x94: {  	_ =	swait.eq [sflag:s5], $0x1  }
0x95: {  	[sflag:s5] =	ssyncset.done $0x0  }
0x96: {  	s17 =	sld [smem:$0x10];
	[sflag:s5] =	ssyncadd.s32 $0xFFFFFFFF  }
0x97: {  	s18 =	sld [smem:$0x11];
	(tm) =	ssettm $0x1  }
0x98: {  	s19 =	sld [smem:$0x3FFB];
	_ =	sdelay $0x3  }
0x99: {  	_ =	strace s19  }
0x9a: {  	s6 =	sld [smem:$0x3FFC];
	_ =	sdelay $0x3  }
0x9b: {  	_ =	strace s6  }
0x9c: {  	s6 =	sld [smem:$0x3FFD];
	_ =	sdelay $0x3  }
0x9d: {  	_ =	strace s6  }
0x9e: {  	_ =	strace $0x8FFFFFFF  }
0x9f: {  	s20 =	sld [smem:$0x3FDB];
	_ =	sdelay $0x1  }
0xa0: {  	s7 =	simm.s32 $_scs_section_size  }
0xa1: {  	s8 =	simm.s32 $_size__tile_overlayer_lowered;
	s9 =	simm.s32 $_tile_overlayer_lowered  }
0xa2: {  	s23 =	simm.s32 $0x1BFF;
	s22 =	sshll.u32 s9, $0x1;
	s6 =	sadd.s32 s7, s20  }
0xa3: {  	s10 =	simm.s32 $0x0;
	s21 =	sshll.u32 s8, $0x1;
	s8 =	sadd.s32 s22, s6  }
0xa4: {  	[timem:s10], [sflag:s23] =	dma.local [hbm:s8], s21  }
0xa5: {  	_ =	swait.ge [sflag:s23], s21  }
0xa6: {  	s7 =	ssub.s32 $0x0, s21;
	[sflag:s23] =	ssyncset.done $0x0  }
0xa7: {  	[sflag:s23] =	ssyncadd.s32 s7;
	_ =	sdelay $0x1  }
0xa8: {  	s24 =	simm.s32 $0x1B8B  }
0xa9: {  	_ =	swait.ge [sflag:s24], $0x1  }
0xaa: {  	[sflag:s24] =	ssyncset.done $0x0  }
0xab: {  	s25 =	simm.s32 $0x1B8E;
	[sflag:s24] =	ssyncadd.s32 $0xFFFFFFFF  }
0xac: {  	s26 =	simm.s32 $execute0_lowered;
	[smem:$0x3FD2] =	sst s25  }
0xad: {  	s7 =	sshll.u32 s26, $0x1;
	_ =	strace $0x80000046;
	[dreg:$0x1] =	wrdreg $0xFFFFFFFF  }
0xae: {  	s28 =	simm.s32 $_size_execute0_lowered;
	s6 =	sadd.s32 s6, s7;
	[dreg:$0x0] =	wrdreg $0x0  }
0xaf: {  	s7 =	sshll.u32 s28, $0x1;
	[dreg:$0x2] =	wrdreg s6  }
0xb0: {  	[dreg:$0x3] =	wrdreg s7  }
0xb1: {  	[dreg:$0x4] =	wrdreg $0xC0  }
0xb2: {  	_ =	task [dreg:s10], $0x5FFFF  }
0xb3: {  	[dreg:$0x1] =	wrdreg $0xFFFFFFFF  }
0xb4: {  	[dreg:$0x0] =	wrdreg $0x60  }
0xb5: {  	[dreg:$0x2] =	wrdreg s16  }
0xb6: {  	[dreg:$0x3] =	wrdreg s4  }
0xb7: {  	[dreg:$0x4] =	wrdreg s17  }
0xb8: {  	[dreg:$0x5] =	wrdreg s18  }
0xb9: {  	[dreg:$0x6] =	wrdreg $0x9  }
0xba: {  	_ =	task.clear_ibuf [dreg:s10], $0x7FFFF;
	_ =	strace $0x90000046  }
0xbb: {  	s29 =	simm.s32 $0x9;
	_ =	strace $0x80000048  }
0xbc: {  	_ =	swait.ge [sflag:s29], $0x1  }
0xbd: {  	[sflag:s29] =	ssyncadd.s32 $0xFFFFFFFF  }
0xbe: {  	_ =	strace $0x90000048  }
0xbf: {  	_ =	sfence  }
0xc0: {  	s30 =	sld [smem:$0x0];
	_ =	sdelay $0x2  }
0xc1: {  	s31 =	sshll.u32 s1, $0xD;
	s1 =	sshrl.u32 s1, $0x2  }
0xc2: {  	s3 =	sand.u32 $0x4000, s31;
	s1 =	sadd.s32 s1, s30  }
0xc3: {  	s0 =	sor.u32 s3, s0;
	s1 =	sshll.u32 s1, $0x11  }
0xc4: {  	s0 =	sor.u32 s1, s0  }
0xc5: {  	s0 =	sadd.s32 $0x8F2B, s0  }
0xc6: {  	[sflag:s0] =	ssyncadd.remote.s32 $0x1  }
0xc7: {  	_ =	sfence.sel $0xFFFF  }
0xc8: {  	[dreg:$0x0] =	wrdreg $0xFFFFFFFF;
	(pc) =	sbr.abs _section_cstart, $3  }
0xc9: {  	[dreg:$0x1] =	wrdreg $0xFFFFFFFF  }
0xca: {  	_ =	task.clear_ibuf [dreg:s10], $0x2FFFF;
	_ =	strace $0x9FFFFFFF  }
0xcb: {  	(tm) =	ssettm $0x7FFFFFFF  }
tec
execute0_lowered:
.L_overlay_start_1:
0x0: {  	(tag) =	ssettag $0x1  }
0x1: {  	s31 =	rddreg [dreg:$0x0];
	s1 =	srdreg.scid  }
0x2: {  	s5 =	rddreg [dreg:$0x2];
	s2 =	stileid.u32;
	s1 =	sand.u32 $0x1, s1  }
0x3: {  	s4 =	simm.s32 $0x0;
	s2 =	sshll.u32 s2, $0xA;
	s3 =	sshll.u32 s1, $0x9  }
0x4: {  	[smem:$0x7FF] =	sst s4;
	s6 =	sor.u32 s3, s2  }
0x5: {  	s0 =	rddreg [dreg:$0x3];
	_ =	strace $0x80000047;
	s3 =	sshll.u32 s6, $0x8  }
0x6: {  	[dreg:$0x5] =	wrdreg s6;
	s20 =	sshrl.u32 s6, $0x3;
	s7 =	sadd.s32 s31, s3  }
0x7: {  	s0 =	sadd.s32 s0, s20;
	[dreg:$0x6] =	wrdreg s7  }
0x8: {  	s23 =	sor.u32 $0x3, s20;
	[dreg:$0x9] =	wrdreg s0  }
0x9: {  	s24 =	sor.u32 $0x4, s20;
	[dreg:$0xa] =	wrdreg s23  }
0xa: {  	s1 =	ssub.s32 $0x2, s1;
	s25 =	sor.u32 $0x1, s20;
	[dreg:$0xb] =	wrdreg s24  }
0xb: {  	s19 =	sshrl.u32 s1, $0x1;
	s26 =	sor.u32 $0x5, s20;
	[dreg:$0xc] =	wrdreg s25  }
0xc: {  	s1 =	ssub.s32 s1, s19;
	s28 =	sor.u32 $0x2, s20;
	[dreg:$0xd] =	wrdreg s26  }
0xd: {  	s30 =	smax.u32 s1, $0x1;
	[dreg:$0xe] =	wrdreg s28  }
0xe: {  	s18 =	simm.s32 $0xA00;
	s21 =	sadd.s32 $0x800, s7;
	[dreg:$0x10] =	wrdreg s30  }
0xf: {  	s29 =	sadd.s32 s3, s5;
	s22 =	sadd.s32 $0x1000, s7;
	[dreg:$0x7] =	wrdreg s21  }
0x10: {  	s19 =	simm.s32 $0x4A00;
	s0 =	sadd.s32 $0x1F800, s29;
	[dreg:$0x8] =	wrdreg s22  }
0x11: {  	v0 =	vimm.f32 $0.0e+00;
	s20 =	simm.s32 $0x8A00;
	s1 =	simm.s32 $0x0;
	[dreg:$0xf] =	wrdreg s0  }
.LBB2_1:
0x12: {  	[dreg:$0x11] =	wrdreg s1  }
0x13: {  	s0 =	rddreg [dreg:$0x6]  }
0x14: {  	[tilespmem:s18], [sflag:$0x1] =	stream.linear.gather [hbm4b:s0+s4], $0x4000, $0x38;
	[tilespmem:$0x18A00] =	vst v63  }
0x15: {  	s26 =	rddreg [dreg:$0x7]  }
0x16: {  	[tilespmem:s19], [sflag:$0x2] =	stream.linear.gather [hbm4b:s26+s4], $0x4000, $0x38;
	[tilespmem:$0x18A00] =	vst v63  }
0x17: {  	s28 =	rddreg [dreg:$0x8]  }
0x18: {  	[tilespmem:s20], [sflag:$0x3] =	stream.linear.gather [hbm4b:s28+s4], $0x4000, $0x38;
	[tilespmem:$0x18A00] =	vst v63  }
0x19: {  	s29 =	rddreg [dreg:$0x1];
	s30 =	simm.s32 $0x8  }
0x1a: {  	[tilespmem:s4], [sflag:$0x8] =	stream.linear.gather [hbm4b:s29+s4], $0x800, $0x38;
	[tilespmem:$0x18A00] =	vst v63  }
0x1b: {  	_ =	swait.ge [sflag:s30], $0x800  }
0x1c: {  	[sflag:s30] =	ssyncset.done $0x0  }
0x1d: {  	s0 =	simm.s32 $0x820;
	[sflag:s30] =	ssyncadd.s32 $0xFFFFF800  }
0x1e: {  	[tilespmem:s0+$0xFFFFFFE0] =	vst v0  }
0x1f: {  	[tilespmem:s0+$0x10] =	vst v0  }
0x20: {  	s1 =	simm.s32 $0x0;
	[tilespmem:s0+$0x0] =	vst v0  }
.LBB2_2:
0x21: {  	s1 =	sadd.s32 $0x4, s1  }
0x22: {  	[tilespmem:s0+$0xFFFFFFF0] =	vst v0;
	s0 =	sadd.s32 $0x40, s0;
	p0 =	slt.u32 s1, $0x1C  }
.Ltmp0:
0x23: {  	[tilespmem:s0+$0xFFFFFFE0] =	vst v0;
	(pc) =	sbr.rel @p0 .LBB2_2-.Ltmp0, $3  }
0x24: {  	_ =	sdelay $0x1  }
0x25: {  	[tilespmem:s0+$0x10] =	vst v0  }
0x26: {  	[tilespmem:s0+$0x0] =	vst v0  }
0x27: {  	[tilespmem:s0+$0xFFFFFFF0] =	vst v0;
	s2 =	simm.s32 $0x0  }
0x28: {  	s1 =	simm.s32 $0x800;
	s8 =	simm.s32 $0x0;
	s0 =	rddreg [dreg:$0x9]  }
0x29: {  	[hbm4b:s0+s2] =	stream.linear.scatter [tilespmem:s1], [sflag:$0x7], $0x200, $0x38;
	[tilespmem:$0x18A00] =	vst v63  }
.LBB2_4:
0x2a: {  	s0 =	simm.s32 $0x1  }
0x2b: {  	_ =	swait.ge [sflag:s0], $0x4000  }
0x2c: {  	p0 =	seq.s32 s8, $0x0;
	[sflag:s0] =	ssyncset.done $0x0  }
0x2d: {  	s7 =	simm.s32 $0x0;
	[sflag:s0] =	ssyncadd.s32 $0xFFFFC000;
	s0 =	simm.s32 @!p0 $0x4  }
0x2e: {  	s1 =	sand.u32 $0x40, s7;
	_ =	swait.ge @!p0 [sflag:s0], $0x4000  }
0x2f: {  	s2 =	sand.u32 $0x780, s7;
	s3 =	sor.u32 $0x30, s1;
	[sflag:s0] =	ssyncset.done @!p0 $0x0  }
0x30: {  	s23 =	sor.u32 s3, s2;
	[sflag:s0] =	ssyncadd.s32 @!p0 $0xFFFFC000  }
0x31: {  	v1 =	vld [tilespmem:s23+$0x0]  }
0x32: {  	s24 =	sor.u32 $0x10, s1;
	v2 =	vld [tilespmem:s7+$0x0]  }
0x33: {  	s4 =	sor.u32 $0x20, s1;
	s6 =	sor.u32 s24, s2  }
0x34: {  	s2 =	sor.u32 s4, s2;
	v3 =	vld [tilespmem:s6+$0x0]  }
0x35: {  	v4 =	vld [tilespmem:s2+$0x0]  }
0x36: {  	v5 =	vshll.u32 v1, $0x3  }
0x37: {  	v6 =	vshll.u32 v2, $0x3;
	v1 =	vand.u32 $0x7F, v1;
	v5 =	vand.u32 $0xFFFFFC00, v5  }
0x38: {  	v2 =	vand.u32 $0x7F, v2;
	v7 =	vand.u32 $0xFFFFFC00, v6;
	v6 =	vor.u32 v1, v5  }
0x39: {  	v1 =	vor.u32 v2, v7;
	v2 =	vshll.u32 v3, $0x3  }
0x3a: {  	v5 =	vshll.u32 v4, $0x3;
	v3 =	vand.u32 $0x7F, v3;
	v2 =	vand.u32 $0xFFFFFC00, v2  }
0x3b: {  	v7 =	vand.u32 $0xFFFFFC00, v5;
	v5 =	vor.u32 v3, v2;
	v2 =	vand.u32 $0x7F, v4  }
0x3c: {  	v4 =	vor.u32 v2, v7  }
0x3d: {  	v2 =	vld.idx.msk [tilespmem:v6+s18+$0x0], $0xffff  }
0x3e: {  	v7 =	vor.u32 $0x80, v6;
	v3 =	vld.idx.msk [tilespmem:v1+s18+$0x0], $0xffff  }
0x3f: {  	s25 =	sand.u32 $0x3C00, s7;
	v8 =	vor.u32 $0x80, v1  }
0x40: {  	s2 =	sadd.s32 $0xCA00, s25;
	v9 =	vld.idx.msk [tilespmem:v5+s18+$0x0], $0xffff  }
0x41: {  	s26 =	sor.u32 s3, s2;
	v10 =	vor.u32 $0x80, v5;
	v11 =	vld.idx.msk [tilespmem:v4+s18+$0x0], $0xffff  }
0x42: {  	s28 =	sor.u32 s1, s2;
	v12 =	vor.u32 $0x80, v4;
	[tilespmem:s26+$0x0] =	vst v2  }
0x43: {  	[tilespmem:s28+$0x0] =	vst v3;
	v2 =	vld.idx.msk [tilespmem:v7+s18+$0x0], $0xffff  }
0x44: {  	s9 =	sor.u32 s24, s2;
	v3 =	vld.idx.msk [tilespmem:v8+s18+$0x0], $0xffff;
	v7 =	vor.u32 $0x100, v6  }
0x45: {  	s0 =	sor.u32 s4, s2;
	v8 =	vor.u32 $0x100, v1;
	[tilespmem:s9+$0x0] =	vst v9  }
0x46: {  	v9 =	vld.idx.msk [tilespmem:v10+s18+$0x0], $0xffff;
	[tilespmem:s0+$0x0] =	vst v11  }
0x47: {  	v10 =	vor.u32 $0x100, v5;
	v11 =	vld.idx.msk [tilespmem:v12+s18+$0x0], $0xffff  }
0x48: {  	v12 =	vor.u32 $0x100, v4;
	[tilespmem:s26+$0x80] =	vst v2  }
0x49: {  	[tilespmem:s28+$0x80] =	vst v3;
	v2 =	vld.idx.msk [tilespmem:v7+s18+$0x0], $0xffff  }
0x4a: {  	v3 =	vld.idx.msk [tilespmem:v8+s18+$0x0], $0xffff;
	v7 =	vor.u32 $0x180, v6  }
0x4b: {  	v8 =	vor.u32 $0x180, v1;
	[tilespmem:s9+$0x80] =	vst v9  }
0x4c: {  	v9 =	vld.idx.msk [tilespmem:v10+s18+$0x0], $0xffff;
	[tilespmem:s0+$0x80] =	vst v11  }
0x4d: {  	s10 =	simm.s32 $0x40;
	v10 =	vor.u32 $0x180, v5;
	v11 =	vld.idx.msk [tilespmem:v12+s18+$0x0], $0xffff  }
0x4e: {  	s2 =	sand.u32 $0x40, s10;
	v12 =	vld [tilespmem:s10+$0x0];
	[tilespmem:s26+$0x100] =	vst v2  }
0x4f: {  	s11 =	sand.u32 $0x780, s10;
	s14 =	sor.u32 $0x30, s2;
	[tilespmem:s28+$0x100] =	vst v3;
	v2 =	vld.idx.msk [tilespmem:v7+s18+$0x0], $0xffff  }
0x50: {  	s15 =	sor.u32 s14, s11;
	v3 =	vor.u32 $0x180, v4;
	v7 =	vld.idx.msk [tilespmem:v8+s18+$0x0], $0xffff  }
0x51: {  	s16 =	sor.u32 $0x10, s2;
	v8 =	vor.u32 $0x200, v6;
	[tilespmem:s9+$0x100] =	vst v9;
	v9 =	vld [tilespmem:s15+$0x0]  }
0x52: {  	s21 =	sor.u32 $0x20, s2;
	s12 =	sor.u32 s16, s11;
	v10 =	vld.idx.msk [tilespmem:v10+s18+$0x0], $0xffff  }
0x53: {  	s11 =	sor.u32 s21, s11;
	v14 =	vld [tilespmem:s12+$0x0];
	v13 =	vor.u32 $0x200, v5;
	v15 =	vshll.u32 v12, $0x3  }
0x54: {  	v16 =	vld [tilespmem:s11+$0x0];
	[tilespmem:s0+$0x100] =	vst v11;
	v11 =	vor.u32 $0x200, v1;
	v12 =	vand.u32 $0x7F, v12;
	v15 =	vand.u32 $0xFFFFFC00, v15  }
0x55: {  	p1 =	por $0x0, $0x0;
	s7 =	simm.s32 $0x1;
	v17 =	vld.idx.msk [tilespmem:v3+s18+$0x0], $0xffff;
	[tilespmem:s26+$0x180] =	vst v2;
	v2 =	vor.u32 v12, v15  }
0x56: {  	s7 =	simm.s32 @!p1 $0x0;
	v12 =	vor.u32 $0x200, v4;
	v8 =	vld.idx.msk [tilespmem:v8+s18+$0x0], $0xffff;
	v3 =	vshll.u32 v9, $0x3  }
0x57: {  	s7 =	sshll.u32 s7, $0x6;
	v9 =	vand.u32 $0x7F, v9;
	[tilespmem:s9+$0x180] =	vst v10;
	v3 =	vand.u32 $0xFFFFFC00, v3;
	v10 =	vor.u32 $0x280, v6  }
0x58: {  	s3 =	sadd.s32 $0x0, s7;
	v15 =	vor.u32 $0x280, v5;
	[tilespmem:s28+$0x180] =	vst v7;
	v7 =	vld.idx.msk [tilespmem:v13+s18+$0x0], $0xffff;
	v13 =	vshll.u32 v14, $0x3;
	v3 =	vor.u32 v9, v3  }
0x59: {  	s7 =	sadd.s32 $0x30, s3;
	v9 =	vld.idx.msk [tilespmem:v11+s18+$0x0], $0xffff;
	v11 =	vshll.u32 v16, $0x3;
	v14 =	vand.u32 $0x7F, v14;
	v13 =	vand.u32 $0xFFFFFC00, v13  }
0x5a: {  	s23 =	sor.u32 $0x200, s7;
	v11 =	vand.u32 $0xFFFFFC00, v11;
	[tilespmem:s0+$0x180] =	vst v17;
	v18 =	vld.idx.msk [tilespmem:v2+s18+$0x0], $0xffff;
	v22 =	vor.u32 v14, v13;
	v13 =	vand.u32 $0x7F, v16  }
0x5b: {  	s1 =	sadd.s32 $0x10, s3;
	v12 =	vld.idx.msk [tilespmem:v12+s18+$0x0], $0xffff;
	v11 =	vor.u32 v13, v11;
	[tilespmem:s23+$0xCA00] =	vst v8  }
0x5c: {  	s24 =	sor.u32 $0x200, s1;
	v8 =	vor.u32 $0x280, v1;
	v10 =	vld.idx.msk [tilespmem:v10+s18+$0x0], $0xffff  }
0x5d: {  	s17 =	simm.s32 $0x200;
	s25 =	sor.u32 $0x200, s3;
	v13 =	vor.u32 $0x280, v4;
	v14 =	vld.idx.msk [tilespmem:v3+s18+$0x0], $0xffff;
	[tilespmem:s24+$0xCA00] =	vst v7  }
0x5e: {  	s11 =	sadd.s32 $0x20, s3;
	s28 =	sand.u32 $0x3C00, s17;
	[tilespmem:s25+$0xCA00] =	vst v9;
	v9 =	vor.u32 $0x80, v2;
	v7 =	vld.idx.msk [tilespmem:v15+s18+$0x0], $0xffff  }
0x5f: {  	s26 =	sor.u32 $0x200, s11;
	s9 =	sadd.s32 $0xCA00, s28;
	v15 =	vor.u32 $0x300, v6;
	v16 =	vld.idx.msk [tilespmem:v22+s18+$0x0], $0xffff  }
0x60: {  	v17 =	vor.u32 $0x80, v3;
	[tilespmem:s26+$0xCA00] =	vst v12;
	s26 =	sor.u32 s2, s9;
	v19 =	vld.idx.msk [tilespmem:v11+s18+$0x0], $0xffff  }
0x61: {  	s13 =	sor.u32 $0x280, s7;
	v20 =	vor.u32 $0x80, v22;
	v23 =	vld.idx.msk [tilespmem:v8+s18+$0x0], $0xffff;
	[tilespmem:s26+$0x0] =	vst v18  }
0x62: {  	s6 =	sor.u32 s14, s9;
	v8 =	vor.u32 $0x80, v11;
	v12 =	vld.idx.msk [tilespmem:v13+s18+$0x0], $0xffff;
	[tilespmem:s13+$0xCA00] =	vst v10  }
0x63: {  	s14 =	sor.u32 $0x280, s1;
	v10 =	vor.u32 $0x300, v5;
	[tilespmem:s6+$0x0] =	vst v14;
	v9 =	vld.idx.msk [tilespmem:v9+s18+$0x0], $0xffff  }
0x64: {  	s29 =	sor.u32 s16, s9;
	v14 =	vor.u32 $0x300, v4;
	v13 =	vld.idx.msk [tilespmem:v15+s18+$0x0], $0xffff;
	[tilespmem:s14+$0xCA00] =	vst v7  }
0x65: {  	s0 =	sor.u32 s21, s9;
	v6 =	vor.u32 $0x380, v6;
	v17 =	vld.idx.msk [tilespmem:v17+s18+$0x0], $0xffff;
	[tilespmem:s29+$0x0] =	vst v16  }
0x66: {  	s15 =	sor.u32 $0x280, s11;
	v18 =	vor.u32 $0x100, v3;
	v16 =	vld.idx.msk [tilespmem:v20+s18+$0x0], $0xffff;
	[tilespmem:s0+$0x0] =	vst v19  }
0x67: {  	v20 =	vor.u32 $0x100, v2;
	[tilespmem:s15+$0xCA00] =	vst v12;
	v8 =	vld.idx.msk [tilespmem:v8+s18+$0x0], $0xffff  }
0x68: {  	s16 =	sor.u32 $0x300, s7;
	v7 =	vor.u32 $0x100, v22;
	v24 =	vld.idx.msk [tilespmem:v10+s18+$0x0], $0xffff;
	[tilespmem:s26+$0x80] =	vst v9  }
0x69: {  	v21 =	vor.u32 $0x100, v11;
	v15 =	vld.idx.msk [tilespmem:v14+s18+$0x0], $0xffff;
	[tilespmem:s16+$0xCA00] =	vst v13  }
0x6a: {  	[tilespmem:s6+$0x80] =	vst v17;
	v17 =	vor.u32 $0x300, v1;
	v25 =	vld.idx.msk [tilespmem:v6+s18+$0x0], $0xffff  }
0x6b: {  	s22 =	smov.u32 s5;
	v26 =	vor.u32 $0x380, v5;
	v19 =	vld.idx.msk [tilespmem:v18+s18+$0x0], $0xffff;
	[tilespmem:s29+$0x80] =	vst v16  }
0x6c: {  	s5 =	smov.u32 s31;
	s23 =	sor.u32 $0x280, s3;
	v5 =	vor.u32 $0x380, v22;
	v18 =	vld.idx.msk [tilespmem:v20+s18+$0x0], $0xffff;
	s4 =	rddreg [dreg:$0x5];
	[tilespmem:s0+$0x80] =	vst v8  }
0x6d: {  	s31 =	simm.s32 $0x4;
	s30 =	sor.u32 $0x380, s1;
	s28 =	sor.u32 $0x380, s7;
	v12 =	vor.u32 $0x200, v22;
	v14 =	vor.u32 $0x180, v22;
	v20 =	vld.idx.msk [tilespmem:v7+s18+$0x0], $0xffff;
	[tilespmem:s23+$0xCA00] =	vst v23;
	v23 =	vor.u32 $0x180, v3  }
0x6e: {  	s7 =	sor.u32 $0x380, s3;
	s21 =	smul.u32 $0x18, s8;
	s25 =	sor.u32 $0x300, s1;
	v9 =	vor.u32 $0x280, v22;
	v7 =	vor.u32 $0x300, v22;
	v22 =	vor.u32 $0x180, v2;
	v21 =	vld.idx.msk [tilespmem:v21+s18+$0x0], $0xffff  }
0x6f: {  	s24 =	sor.u32 $0x300, s11;
	s9 =	smul.u32 $0x3, s8;
	s2 =	sor.u32 $0x300, s3;
	v4 =	vor.u32 $0x380, v4;
	v10 =	vor.u32 $0x200, v11;
	v13 =	vor.u32 $0x180, v11;
	[tilespmem:s25+$0xCA00] =	vst v24;
	v16 =	vld.idx.msk [tilespmem:v17+s18+$0x0], $0xffff  }
0x70: {  	s3 =	simm.s32 $0x80;
	v6 =	vor.u32 $0x300, v11;
	v8 =	vor.u32 $0x280, v11;
	v11 =	vor.u32 $0x380, v11;
	s16 =	sadd.s32 s4, s21;
	s21 =	sor.u32 $0x380, s11;
	v17 =	vld.idx.msk [tilespmem:v26+s18+$0x0], $0xffff;
	[tilespmem:s28+$0xCA00] =	vst v25  }
.LBB2_5:
0x71: {  	v24 =	vld [tilespmem:s3+$0x0];
	[tilespmem:s6+$0x100] =	vst v19;
	s10 =	sadd.s32 $0x40, s10  }
0x72: {  	s31 =	sadd.s32 $0x4, s31;
	s11 =	sand.u32 $0x40, s10;
	[tilespmem:s26+$0x100] =	vst v18;
	v18 =	vld.idx.msk [tilespmem:v23+s18+$0x0], $0xffff  }
0x73: {  	s1 =	sand.u32 $0x780, s10;
	p2 =	slt.u32 s31, $0x7C;
	s12 =	sor.u32 $0x30, s11;
	v19 =	vld.idx.msk [tilespmem:v22+s18+$0x0], $0xffff;
	[tilespmem:s29+$0x100] =	vst v20  }
0x74: {  	s14 =	sor.u32 $0x10, s11;
	s13 =	sor.u32 $0x20, s11;
	v20 =	vor.u32 $0x200, v3;
	s4 =	sor.u32 s12, s1;
	v14 =	vld.idx.msk [tilespmem:v14+s18+$0x0], $0xffff;
	[tilespmem:s0+$0x100] =	vst v21  }
0x75: {  	v22 =	vor.u32 $0x200, v2;
	s15 =	sor.u32 s14, s1;
	s1 =	sor.u32 s13, s1;
	v21 =	vld [tilespmem:s4+$0x0];
	[tilespmem:s24+$0xCA00] =	vst v15  }
0x76: {  	v15 =	vld [tilespmem:s15+$0x0];
	[tilespmem:s2+$0xCA00] =	vst v16  }
0x77: {  	v16 =	vshll.u32 v24, $0x3;
	v23 =	vld [tilespmem:s1+$0x0];
	[tilespmem:s30+$0xCA00] =	vst v17  }
0x78: {  	v17 =	vand.u32 $0x7F, v24;
	v16 =	vand.u32 $0xFFFFFC00, v16;
	v13 =	vld.idx.msk [tilespmem:v13+s18+$0x0], $0xffff;
	[tilespmem:s6+$0x180] =	vst v18;
	v18 =	vor.u32 $0x380, v1;
	v1 =	vmovc v2  }
0x79: {  	p1 =	por !p1, !p1;
	s1 =	simm.s32 $0x1;
	v2 =	vor.u32 v17, v16;
	[tilespmem:s26+$0x180] =	vst v19;
	v16 =	vld.idx.msk [tilespmem:v20+s18+$0x0], $0xffff  }
0x7a: {  	s1 =	simm.s32 @!p1 $0x0;
	v17 =	vshll.u32 v21, $0x3;
	v19 =	vld.idx.msk [tilespmem:v22+s18+$0x0], $0xffff;
	[tilespmem:s29+$0x180] =	vst v14  }
0x7b: {  	s1 =	sshll.u32 s1, $0x6;
	v14 =	vand.u32 $0x7F, v21;
	v17 =	vand.u32 $0xFFFFFC00, v17;
	v20 =	vld.idx.msk [tilespmem:v12+s18+$0x0], $0xffff;
	v12 =	vor.u32 $0x280, v3  }
0x7c: {  	s6 =	sadd.s32 s1, s17;
	v21 =	vshll.u32 v15, $0x3;
	v22 =	vshll.u32 v23, $0x3;
	v17 =	vor.u32 v14, v17;
	v24 =	vld.idx.msk [tilespmem:v4+s18+$0x0], $0xffff;
	v4 =	vmovc v11  }
0x7d: {  	s26 =	sadd.s32 $0x10, s6;
	s29 =	sadd.s32 $0x20, s6;
	s15 =	sadd.s32 $0x30, s6;
	v11 =	vand.u32 $0x7F, v15;
	v14 =	vand.u32 $0xFFFFFC00, v21;
	v15 =	vand.u32 $0xFFFFFC00, v22;
	v18 =	vld.idx.msk [tilespmem:v18+s18+$0x0], $0xffff  }
0x7e: {  	s30 =	sor.u32 $0x200, s26;
	s1 =	sor.u32 $0x200, s15;
	v11 =	vor.u32 v11, v14;
	v14 =	vand.u32 $0x7F, v23;
	v22 =	vor.u32 $0x280, v1;
	v21 =	vld.idx.msk [tilespmem:v2+s18+$0x0], $0xffff;
	[tilespmem:s0+$0x180] =	vst v13;
	s0 =	sor.u32 $0x200, s29  }
0x7f: {  	s2 =	sor.u32 $0x200, s6;
	s28 =	sor.u32 $0x280, s26;
	s25 =	sor.u32 $0x280, s29;
	v23 =	vor.u32 $0x80, v11;
	v25 =	vor.u32 $0x100, v11;
	v15 =	vor.u32 v14, v15;
	v26 =	vld.idx.msk [tilespmem:v10+s18+$0x0], $0xffff;
	[tilespmem:s1+$0xCA00] =	vst v16  }
0x80: {  	s4 =	sor.u32 $0x280, s6;
	s24 =	sor.u32 $0x300, s29;
	v14 =	vor.u32 $0x180, v11;
	v16 =	vor.u32 $0x80, v15;
	v27 =	vor.u32 $0x100, v15;
	s1 =	sor.u32 $0x300, s26;
	[tilespmem:s2+$0xCA00] =	vst v19;
	v19 =	vld.idx.msk [tilespmem:v12+s18+$0x0], $0xffff  }
0x81: {  	v13 =	vor.u32 $0x180, v15;
	v10 =	vor.u32 $0x200, v15;
	v12 =	vor.u32 $0x200, v11;
	s2 =	sor.u32 $0x300, s6;
	v28 =	vld.idx.msk [tilespmem:v17+s18+$0x0], $0xffff;
	[tilespmem:s30+$0xCA00] =	vst v20;
	s30 =	sor.u32 $0x380, s26;
	s26 =	sor.u32 $0x380, s29  }
0x82: {  	v30 =	vor.u32 $0x300, v3;
	s6 =	sor.u32 $0x380, s6;
	v20 =	vor.u32 $0x280, v15;
	v29 =	vld.idx.msk [tilespmem:v9+s18+$0x0], $0xffff;
	v9 =	vor.u32 $0x280, v11;
	[tilespmem:s21+$0xCA00] =	vst v24;
	s21 =	smov.u32 s26  }
0x83: {  	s17 =	sadd.s32 $0x200, s17;
	v33 =	vor.u32 $0x80, v17;
	v31 =	vor.u32 $0x300, v11;
	v32 =	vor.u32 $0x300, v15;
	v24 =	vld.idx.msk [tilespmem:v11+s18+$0x0], $0xffff;
	[tilespmem:s7+$0xCA00] =	vst v18;
	s7 =	smov.u32 s6  }
0x84: {  	v34 =	vor.u32 $0x380, v11;
	s6 =	sand.u32 $0x3C00, s17;
	v18 =	vor.u32 $0x80, v2;
	v11 =	vor.u32 $0x380, v15;
	v35 =	vld.idx.msk [tilespmem:v15+s18+$0x0], $0xffff  }
0x85: {  	s23 =	sadd.s32 $0xCA00, s6;
	v36 =	vld.idx.msk [tilespmem:v22+s18+$0x0], $0xffff;
	[tilespmem:s0+$0xCA00] =	vst v26;
	s0 =	sor.u32 $0x280, s15  }
0x86: {  	s26 =	sor.u32 s11, s23;
	s29 =	sor.u32 s14, s23;
	s6 =	sor.u32 s12, s23;
	v15 =	vld.idx.msk [tilespmem:v8+s18+$0x0], $0xffff;
	[tilespmem:s0+$0xCA00] =	vst v19;
	v8 =	vmov v20  }
0x87: {  	s0 =	sor.u32 s13, s23;
	[tilespmem:s6+$0x0] =	vst v28;
	v19 =	vld.idx.msk [tilespmem:v30+s18+$0x0], $0xffff  }
0x88: {  	[tilespmem:s26+$0x0] =	vst v21;
	v20 =	vld.idx.msk [tilespmem:v33+s18+$0x0], $0xffff  }
0x89: {  	v21 =	vor.u32 $0x380, v3;
	v3 =	vmov v17;
	v18 =	vld.idx.msk [tilespmem:v18+s18+$0x0], $0xffff;
	[tilespmem:s29+$0x0] =	vst v24  }
0x8a: {  	v22 =	vor.u32 $0x100, v3;
	v17 =	vld.idx.msk [tilespmem:v23+s18+$0x0], $0xffff;
	[tilespmem:s0+$0x0] =	vst v35  }
0x8b: {  	v23 =	vor.u32 $0x100, v2;
	v16 =	vld.idx.msk [tilespmem:v16+s18+$0x0], $0xffff;
	[tilespmem:s28+$0xCA00] =	vst v29  }
0x8c: {  	s11 =	sor.u32 $0x300, s15;
	v24 =	vld.idx.msk [tilespmem:v7+s18+$0x0], $0xffff;
	[tilespmem:s25+$0xCA00] =	vst v15;
	v7 =	vmov v31  }
0x8d: {  	v15 =	vld.idx.msk [tilespmem:v6+s18+$0x0], $0xffff;
	[tilespmem:s11+$0xCA00] =	vst v19;
	v6 =	vmov v32  }
0x8e: {  	v26 =	vor.u32 $0x300, v1;
	[tilespmem:s6+$0x80] =	vst v20;
	v28 =	vld.idx.msk [tilespmem:v21+s18+$0x0], $0xffff  }
0x8f: {  	[tilespmem:s26+$0x80] =	vst v18;
	v19 =	vld.idx.msk [tilespmem:v22+s18+$0x0], $0xffff  }
.Ltmp1:
0x90: {  	v18 =	vld.idx.msk [tilespmem:v23+s18+$0x0], $0xffff;
	[tilespmem:s29+$0x80] =	vst v17;
	(pc) =	sbr.rel @p2 .LBB2_5-.Ltmp1, $4  }
0x91: {  	v23 =	vor.u32 $0x180, v3;
	v20 =	vld.idx.msk [tilespmem:v25+s18+$0x0], $0xffff;
	[tilespmem:s0+$0x80] =	vst v16  }
0x92: {  	v22 =	vor.u32 $0x180, v2;
	v21 =	vld.idx.msk [tilespmem:v27+s18+$0x0], $0xffff;
	[tilespmem:s4+$0xCA00] =	vst v36  }
0x93: {  	v16 =	vld.idx.msk [tilespmem:v26+s18+$0x0], $0xffff;
	[tilespmem:s1+$0xCA00] =	vst v24;
	s1 =	sor.u32 $0x380, s15  }
0x94: {  	s3 =	sadd.s32 $0x40, s3;
	v17 =	vld.idx.msk [tilespmem:v5+s18+$0x0], $0xffff;
	[tilespmem:s1+$0xCA00] =	vst v28;
	v5 =	vmov v34  }
0x95: {  	_ =	sdelay $0x2  }
0x96: {  	[tilespmem:s6+$0x100] =	vst v19  }
0x97: {  	v19 =	vld.idx.msk [tilespmem:v23+s18+$0x0], $0xffff;
	[tilespmem:s29+$0x100] =	vst v20  }
0x98: {  	v20 =	vor.u32 $0x200, v3;
	v14 =	vld.idx.msk [tilespmem:v14+s18+$0x0], $0xffff  }
0x99: {  	[tilespmem:s0+$0x100] =	vst v21  }
0x9a: {  	v13 =	vld.idx.msk [tilespmem:v13+s18+$0x0], $0xffff  }
0x9b: {  	[tilespmem:s26+$0x100] =	vst v18  }
0x9c: {  	p1 =	por !p1, !p1;
	s1 =	simm.s32 $0x1;
	v18 =	vld.idx.msk [tilespmem:v22+s18+$0x0], $0xffff;
	[tilespmem:s6+$0x180] =	vst v19  }
0x9d: {  	s1 =	simm.s32 @!p1 $0x0;
	v21 =	vor.u32 $0x200, v2;
	v19 =	vld.idx.msk [tilespmem:v20+s18+$0x0], $0xffff;
	[tilespmem:s29+$0x180] =	vst v14  }
0x9e: {  	s1 =	sshll.u32 s1, $0x6;
	v14 =	vor.u32 $0x280, v3;
	v12 =	vld.idx.msk [tilespmem:v12+s18+$0x0], $0xffff  }
0x9f: {  	[tilespmem:s0+$0x180] =	vst v13;
	s0 =	sadd.s32 s1, s17  }
0xa0: {  	s1 =	sadd.s32 $0x30, s0  }
0xa1: {  	[tilespmem:s26+$0x180] =	vst v18;
	v10 =	vld.idx.msk [tilespmem:v10+s18+$0x0], $0xffff;
	s3 =	sadd.s32 $0x10, s0;
	s4 =	sor.u32 $0x200, s1  }
0xa2: {  	v13 =	vld.idx.msk [tilespmem:v21+s18+$0x0], $0xffff;
	s10 =	sor.u32 $0x200, s3;
	[tilespmem:s4+$0xCA00] =	vst v19  }
0xa3: {  	v18 =	vor.u32 $0x280, v2;
	v14 =	vld.idx.msk [tilespmem:v14+s18+$0x0], $0xffff;
	[tilespmem:s10+$0xCA00] =	vst v12  }
0xa4: {  	s11 =	sadd.s32 $0x20, s0;
	v12 =	vor.u32 $0x300, v3;
	v9 =	vld.idx.msk [tilespmem:v9+s18+$0x0], $0xffff  }
0xa5: {  	[tilespmem:s24+$0xCA00] =	vst v15;
	s12 =	sor.u32 $0x200, s11  }
0xa6: {  	s13 =	sor.u32 $0x200, s0;
	[tilespmem:s12+$0xCA00] =	vst v10  }
0xa7: {  	v1 =	vor.u32 $0x380, v1;
	s14 =	sor.u32 $0x280, s1;
	[tilespmem:s13+$0xCA00] =	vst v13;
	v8 =	vld.idx.msk [tilespmem:v8+s18+$0x0], $0xffff  }
0xa8: {  	s15 =	sor.u32 $0x280, s3;
	v10 =	vld.idx.msk [tilespmem:v18+s18+$0x0], $0xffff;
	[tilespmem:s14+$0xCA00] =	vst v14  }
0xa9: {  	v13 =	vor.u32 $0x300, v2;
	v12 =	vld.idx.msk [tilespmem:v12+s18+$0x0], $0xffff;
	[tilespmem:s15+$0xCA00] =	vst v9  }
0xaa: {  	[tilespmem:s2+$0xCA00] =	vst v16;
	v3 =	vor.u32 $0x380, v3;
	v7 =	vld.idx.msk [tilespmem:v7+s18+$0x0], $0xffff  }
0xab: {  	v4 =	vld.idx.msk [tilespmem:v4+s18+$0x0], $0xffff;
	[tilespmem:s30+$0xCA00] =	vst v17;
	s17 =	sor.u32 $0x280, s11  }
0xac: {  	v1 =	vld.idx.msk [tilespmem:v1+s18+$0x0], $0xffff;
	s23 =	sor.u32 $0x280, s0;
	[tilespmem:s17+$0xCA00] =	vst v8  }
0xad: {  	s24 =	sor.u32 $0x300, s1;
	[tilespmem:s23+$0xCA00] =	vst v10;
	v6 =	vld.idx.msk [tilespmem:v6+s18+$0x0], $0xffff  }
0xae: {  	s25 =	sor.u32 $0x300, s3;
	v8 =	vld.idx.msk [tilespmem:v13+s18+$0x0], $0xffff;
	[tilespmem:s24+$0xCA00] =	vst v12  }
0xaf: {  	v2 =	vor.u32 $0x380, v2;
	v3 =	vld.idx.msk [tilespmem:v3+s18+$0x0], $0xffff;
	[tilespmem:s25+$0xCA00] =	vst v7  }
0xb0: {  	[tilespmem:s21+$0xCA00] =	vst v4;
	v5 =	vld.idx.msk [tilespmem:v5+s18+$0x0], $0xffff  }
0xb1: {  	s26 =	sor.u32 $0x300, s11;
	[tilespmem:s7+$0xCA00] =	vst v1  }
0xb2: {  	s28 =	sor.u32 $0x300, s0;
	[tilespmem:s26+$0xCA00] =	vst v6  }
0xb3: {  	s1 =	sor.u32 $0x380, s1;
	[tilespmem:s28+$0xCA00] =	vst v8;
	v6 =	vld.idx.msk [tilespmem:v11+s18+$0x0], $0xffff  }
0xb4: {  	s4 =	sor.u32 $0x380, s3;
	v2 =	vld.idx.msk [tilespmem:v2+s18+$0x0], $0xffff;
	[tilespmem:s1+$0xCA00] =	vst v3  }
0xb5: {  	[tilespmem:s4+$0xCA00] =	vst v5  }
0xb6: {  	s31 =	smov.u32 s5;
	s2 =	rddreg [dreg:$0xa]  }
0xb7: {  	s0 =	sor.u32 $0x380, s0;
	s6 =	sor.u32 $0x380, s11;
	s2 =	sadd.s32 s9, s2  }
0xb8: {  	s11 =	simm.s32 $0x0;
	s13 =	simm.s32 $0xCA00;
	[tilespmem:s6+$0xCA00] =	vst v6;
	s7 =	sshll.u32 s2, $0xB  }
0xb9: {  	s12 =	sshll.u32 s16, $0x8;
	[tilespmem:s0+$0xCA00] =	vst v2;
	s10 =	sadd.s32 s5, s7;
	s5 =	smov.u32 s22  }
0xba: {  	[tilespmem:s18], [sflag:$0x1] =	stream.linear.gather [hbm4b:s10+s11], $0x4000, $0x38;
	[tilespmem:$0x18A00] =	vst v63  }
0xbb: {  	s14 =	simm.s32 $0x2;
	s22 =	simm.s32 $0x0;
	s0 =	sadd.s32 s5, s12  }
0xbc: {  	[hbm4b:s0+s22] =	stream.linear.scatter [tilespmem:s13], [sflag:$0x4], $0x4000, $0x38;
	[tilespmem:$0x18A00] =	vst v63  }
0xbd: {  	_ =	swait.ge [sflag:s14], $0x4000  }
0xbe: {  	[sflag:s14] =	ssyncset.done $0x0  }
0xbf: {  	s15 =	simm.s32 $0x0;
	s0 =	simm.s32 @!p0 $0x5;
	[sflag:s14] =	ssyncadd.s32 $0xFFFFC000  }
0xc0: {  	s16 =	sand.u32 $0x40, s15;
	_ =	swait.ge @!p0 [sflag:s0], $0x4000  }
0xc1: {  	s17 =	sand.u32 $0x780, s15;
	s21 =	sor.u32 $0x30, s16;
	[sflag:s0] =	ssyncset.done @!p0 $0x0  }
0xc2: {  	s23 =	sor.u32 s21, s17;
	[sflag:s0] =	ssyncadd.s32 @!p0 $0xFFFFC000  }
0xc3: {  	v1 =	vld [tilespmem:s23+$0x0]  }
0xc4: {  	s24 =	sor.u32 $0x10, s16;
	v2 =	vld [tilespmem:s15+$0x0]  }
0xc5: {  	s25 =	sor.u32 $0x20, s16;
	s26 =	sor.u32 s24, s17  }
0xc6: {  	s3 =	sor.u32 s25, s17;
	v3 =	vld [tilespmem:s26+$0x0]  }
0xc7: {  	v4 =	vld [tilespmem:s3+$0x0]  }
0xc8: {  	v5 =	vshll.u32 v1, $0x3  }
0xc9: {  	v6 =	vshll.u32 v2, $0x3;
	v1 =	vand.u32 $0x7F, v1;
	v5 =	vand.u32 $0xFFFFFC00, v5  }
0xca: {  	v2 =	vand.u32 $0x7F, v2;
	v7 =	vand.u32 $0xFFFFFC00, v6;
	v6 =	vor.u32 v1, v5  }
0xcb: {  	v1 =	vor.u32 v2, v7;
	v2 =	vshll.u32 v3, $0x3  }
0xcc: {  	v5 =	vshll.u32 v4, $0x3;
	v3 =	vand.u32 $0x7F, v3;
	v2 =	vand.u32 $0xFFFFFC00, v2  }
0xcd: {  	v7 =	vand.u32 $0xFFFFFC00, v5;
	v5 =	vor.u32 v3, v2;
	v2 =	vand.u32 $0x7F, v4  }
0xce: {  	v4 =	vor.u32 v2, v7  }
0xcf: {  	v2 =	vld.idx.msk [tilespmem:v6+s19+$0x0], $0xffff  }
0xd0: {  	v7 =	vor.u32 $0x80, v6;
	v3 =	vld.idx.msk [tilespmem:v1+s19+$0x0], $0xffff  }
0xd1: {  	s1 =	sand.u32 $0x3C00, s15;
	v8 =	vor.u32 $0x80, v1  }
0xd2: {  	s28 =	sadd.s32 $0x10A00, s1;
	v9 =	vld.idx.msk [tilespmem:v5+s19+$0x0], $0xffff  }
0xd3: {  	s11 =	sor.u32 s21, s28;
	v10 =	vor.u32 $0x80, v5;
	v11 =	vld.idx.msk [tilespmem:v4+s19+$0x0], $0xffff  }
0xd4: {  	s1 =	sor.u32 s16, s28;
	v12 =	vor.u32 $0x80, v4;
	[tilespmem:s11+$0x0] =	vst v2  }
0xd5: {  	[tilespmem:s1+$0x0] =	vst v3;
	v2 =	vld.idx.msk [tilespmem:v7+s19+$0x0], $0xffff  }
0xd6: {  	s12 =	sor.u32 s24, s28;
	v3 =	vld.idx.msk [tilespmem:v8+s19+$0x0], $0xffff;
	v7 =	vor.u32 $0x100, v6  }
0xd7: {  	s0 =	sor.u32 s25, s28;
	v8 =	vor.u32 $0x100, v1;
	[tilespmem:s12+$0x0] =	vst v9  }
0xd8: {  	v9 =	vld.idx.msk [tilespmem:v10+s19+$0x0], $0xffff;
	[tilespmem:s0+$0x0] =	vst v11  }
0xd9: {  	v10 =	vor.u32 $0x100, v5;
	v11 =	vld.idx.msk [tilespmem:v12+s19+$0x0], $0xffff  }
0xda: {  	v12 =	vor.u32 $0x100, v4;
	[tilespmem:s11+$0x80] =	vst v2  }
0xdb: {  	[tilespmem:s1+$0x80] =	vst v3;
	v2 =	vld.idx.msk [tilespmem:v7+s19+$0x0], $0xffff  }
0xdc: {  	v3 =	vld.idx.msk [tilespmem:v8+s19+$0x0], $0xffff;
	v7 =	vor.u32 $0x180, v6  }
0xdd: {  	v8 =	vor.u32 $0x180, v1;
	[tilespmem:s12+$0x80] =	vst v9  }
0xde: {  	v9 =	vld.idx.msk [tilespmem:v10+s19+$0x0], $0xffff;
	[tilespmem:s0+$0x80] =	vst v11  }
0xdf: {  	s10 =	simm.s32 $0x40;
	v10 =	vor.u32 $0x180, v5;
	v11 =	vld.idx.msk [tilespmem:v12+s19+$0x0], $0xffff  }
0xe0: {  	s2 =	sand.u32 $0x40, s10;
	v12 =	vld [tilespmem:s10+$0x0];
	[tilespmem:s11+$0x100] =	vst v2  }
0xe1: {  	s21 =	sand.u32 $0x780, s10;
	s23 =	sor.u32 $0x30, s2;
	[tilespmem:s1+$0x100] =	vst v3;
	v2 =	vld.idx.msk [tilespmem:v7+s19+$0x0], $0xffff  }
0xe2: {  	s24 =	sor.u32 s23, s21;
	v3 =	vor.u32 $0x180, v4;
	v7 =	vld.idx.msk [tilespmem:v8+s19+$0x0], $0xffff  }
0xe3: {  	s25 =	sor.u32 $0x10, s2;
	v8 =	vor.u32 $0x200, v6;
	[tilespmem:s12+$0x100] =	vst v9;
	v9 =	vld [tilespmem:s24+$0x0]  }
0xe4: {  	s26 =	sor.u32 $0x20, s2;
	s13 =	sor.u32 s25, s21;
	v10 =	vld.idx.msk [tilespmem:v10+s19+$0x0], $0xffff  }
0xe5: {  	s3 =	sor.u32 s26, s21;
	v14 =	vld [tilespmem:s13+$0x0];
	v13 =	vor.u32 $0x200, v5;
	v15 =	vshll.u32 v12, $0x3  }
0xe6: {  	v16 =	vld [tilespmem:s3+$0x0];
	[tilespmem:s0+$0x100] =	vst v11;
	v11 =	vor.u32 $0x200, v1;
	v12 =	vand.u32 $0x7F, v12;
	v15 =	vand.u32 $0xFFFFFC00, v15  }
0xe7: {  	p1 =	por $0x0, $0x0;
	s3 =	simm.s32 $0x1;
	v17 =	vld.idx.msk [tilespmem:v3+s19+$0x0], $0xffff;
	[tilespmem:s11+$0x180] =	vst v2;
	v2 =	vor.u32 v12, v15  }
0xe8: {  	s3 =	simm.s32 @!p1 $0x0;
	v12 =	vor.u32 $0x200, v4;
	v8 =	vld.idx.msk [tilespmem:v8+s19+$0x0], $0xffff;
	v3 =	vshll.u32 v9, $0x3  }
0xe9: {  	s3 =	sshll.u32 s3, $0x6;
	v9 =	vand.u32 $0x7F, v9;
	[tilespmem:s12+$0x180] =	vst v10;
	v3 =	vand.u32 $0xFFFFFC00, v3;
	v10 =	vor.u32 $0x280, v6  }
0xea: {  	s3 =	sadd.s32 $0x0, s3;
	v15 =	vor.u32 $0x280, v5;
	[tilespmem:s1+$0x180] =	vst v7;
	v7 =	vld.idx.msk [tilespmem:v13+s19+$0x0], $0xffff;
	v13 =	vshll.u32 v14, $0x3;
	v3 =	vor.u32 v9, v3  }
0xeb: {  	s1 =	sadd.s32 $0x30, s3;
	v9 =	vld.idx.msk [tilespmem:v11+s19+$0x0], $0xffff;
	v11 =	vshll.u32 v16, $0x3;
	v14 =	vand.u32 $0x7F, v14;
	v13 =	vand.u32 $0xFFFFFC00, v13  }
0xec: {  	s28 =	sor.u32 $0x200, s1;
	v11 =	vand.u32 $0xFFFFFC00, v11;
	[tilespmem:s0+$0x180] =	vst v17;
	v18 =	vld.idx.msk [tilespmem:v2+s19+$0x0], $0xffff;
	v22 =	vor.u32 v14, v13;
	v13 =	vand.u32 $0x7F, v16  }
0xed: {  	s4 =	sadd.s32 $0x10, s3;
	v12 =	vld.idx.msk [tilespmem:v12+s19+$0x0], $0xffff;
	v11 =	vor.u32 v13, v11;
	[tilespmem:s28+$0x10A00] =	vst v8  }
0xee: {  	s12 =	sor.u32 $0x200, s4;
	v8 =	vor.u32 $0x280, v1;
	v10 =	vld.idx.msk [tilespmem:v10+s19+$0x0], $0xffff  }
0xef: {  	s16 =	simm.s32 $0x200;
	s13 =	sor.u32 $0x200, s3;
	v13 =	vor.u32 $0x280, v4;
	v14 =	vld.idx.msk [tilespmem:v3+s19+$0x0], $0xffff;
	[tilespmem:s12+$0x10A00] =	vst v7  }
0xf0: {  	s15 =	sand.u32 $0x3C00, s16;
	s11 =	sadd.s32 $0x20, s3;
	[tilespmem:s13+$0x10A00] =	vst v9;
	v9 =	vor.u32 $0x80, v2;
	v7 =	vld.idx.msk [tilespmem:v15+s19+$0x0], $0xffff  }
0xf1: {  	s14 =	sor.u32 $0x200, s11;
	s12 =	sadd.s32 $0x10A00, s15;
	v15 =	vor.u32 $0x300, v6;
	v16 =	vld.idx.msk [tilespmem:v22+s19+$0x0], $0xffff  }
0xf2: {  	v17 =	vor.u32 $0x80, v3;
	s24 =	sor.u32 s2, s12;
	[tilespmem:s14+$0x10A00] =	vst v12;
	v19 =	vld.idx.msk [tilespmem:v11+s19+$0x0], $0xffff  }
0xf3: {  	s17 =	sor.u32 $0x280, s1;
	v20 =	vor.u32 $0x80, v22;
	[tilespmem:s24+$0x0] =	vst v18;
	v8 =	vld.idx.msk [tilespmem:v8+s19+$0x0], $0xffff  }
0xf4: {  	s6 =	sor.u32 s23, s12;
	v12 =	vor.u32 $0x80, v11;
	v13 =	vld.idx.msk [tilespmem:v13+s19+$0x0], $0xffff;
	[tilespmem:s17+$0x10A00] =	vst v10  }
0xf5: {  	s21 =	sor.u32 $0x280, s4;
	v10 =	vor.u32 $0x300, v5;
	[tilespmem:s6+$0x0] =	vst v14;
	v9 =	vld.idx.msk [tilespmem:v9+s19+$0x0], $0xffff  }
0xf6: {  	s29 =	sor.u32 s25, s12;
	v14 =	vld.idx.msk [tilespmem:v15+s19+$0x0], $0xffff;
	v15 =	vor.u32 $0x300, v4;
	[tilespmem:s21+$0x10A00] =	vst v7  }
0xf7: {  	s0 =	sor.u32 s26, s12;
	v6 =	vor.u32 $0x380, v6;
	v17 =	vld.idx.msk [tilespmem:v17+s19+$0x0], $0xffff;
	[tilespmem:s29+$0x0] =	vst v16  }
0xf8: {  	s23 =	sor.u32 $0x280, s11;
	v18 =	vor.u32 $0x100, v3;
	v16 =	vld.idx.msk [tilespmem:v20+s19+$0x0], $0xffff;
	[tilespmem:s0+$0x0] =	vst v19  }
0xf9: {  	v19 =	vor.u32 $0x100, v2;
	[tilespmem:s23+$0x10A00] =	vst v13;
	v21 =	vld.idx.msk [tilespmem:v12+s19+$0x0], $0xffff  }
0xfa: {  	s25 =	sor.u32 $0x300, s1;
	v7 =	vor.u32 $0x100, v22;
	v23 =	vld.idx.msk [tilespmem:v10+s19+$0x0], $0xffff;
	[tilespmem:s24+$0x80] =	vst v9  }
0xfb: {  	v24 =	vor.u32 $0x100, v11;
	v15 =	vld.idx.msk [tilespmem:v15+s19+$0x0], $0xffff;
	[tilespmem:s25+$0x10A00] =	vst v14  }
0xfc: {  	[tilespmem:s6+$0x80] =	vst v17;
	v17 =	vor.u32 $0x300, v1;
	v25 =	vld.idx.msk [tilespmem:v6+s19+$0x0], $0xffff  }
0xfd: {  	v26 =	vor.u32 $0x380, v5;
	v20 =	vld.idx.msk [tilespmem:v18+s19+$0x0], $0xffff;
	[tilespmem:s29+$0x80] =	vst v16  }
0xfe: {  	s28 =	sor.u32 $0x300, s4;
	v5 =	vor.u32 $0x380, v22;
	v18 =	vld.idx.msk [tilespmem:v19+s19+$0x0], $0xffff;
	[tilespmem:s0+$0x80] =	vst v21  }
0xff: {  	s26 =	sor.u32 $0x280, s3;
	v12 =	vor.u32 $0x200, v22;
	v9 =	vor.u32 $0x280, v22;
	v19 =	vld.idx.msk [tilespmem:v7+s19+$0x0], $0xffff;
	[tilespmem:s28+$0x10A00] =	vst v23;
	v23 =	vor.u32 $0x180, v3  }
0x100: {  	s7 =	sor.u32 $0x380, s3;
	s30 =	sor.u32 $0x380, s4;
	[tilespmem:s26+$0x10A00] =	vst v8;
	v14 =	vor.u32 $0x180, v22;
	v7 =	vor.u32 $0x300, v22;
	v22 =	vor.u32 $0x180, v2;
	v21 =	vld.idx.msk [tilespmem:v24+s19+$0x0], $0xffff  }
0x101: {  	s2 =	sor.u32 $0x300, s3;
	s1 =	sor.u32 $0x380, s1;
	s3 =	simm.s32 $0x80;
	v4 =	vor.u32 $0x380, v4;
	v13 =	vor.u32 $0x180, v11;
	v8 =	vor.u32 $0x280, v11;
	v16 =	vld.idx.msk [tilespmem:v17+s19+$0x0], $0xffff  }
0x102: {  	s17 =	sor.u32 $0x380, s11;
	s21 =	simm.s32 $0x4;
	s26 =	sor.u32 $0x300, s11;
	v10 =	vor.u32 $0x200, v11;
	v6 =	vor.u32 $0x300, v11;
	v11 =	vor.u32 $0x380, v11;
	v17 =	vld.idx.msk [tilespmem:v26+s19+$0x0], $0xffff;
	[tilespmem:s1+$0x10A00] =	vst v25  }
.LBB2_7:
0x103: {  	v24 =	vld [tilespmem:s3+$0x0];
	[tilespmem:s6+$0x100] =	vst v20;
	s10 =	sadd.s32 $0x40, s10  }
0x104: {  	s21 =	sadd.s32 $0x4, s21;
	s11 =	sand.u32 $0x40, s10;
	[tilespmem:s24+$0x100] =	vst v18;
	v18 =	vld.idx.msk [tilespmem:v23+s19+$0x0], $0xffff  }
0x105: {  	s1 =	sand.u32 $0x780, s10;
	p2 =	slt.u32 s21, $0x7C;
	s12 =	sor.u32 $0x30, s11;
	v20 =	vld.idx.msk [tilespmem:v22+s19+$0x0], $0xffff;
	[tilespmem:s29+$0x100] =	vst v19  }
0x106: {  	s14 =	sor.u32 $0x10, s11;
	s13 =	sor.u32 $0x20, s11;
	v19 =	vor.u32 $0x200, v3;
	s4 =	sor.u32 s12, s1;
	v14 =	vld.idx.msk [tilespmem:v14+s19+$0x0], $0xffff;
	[tilespmem:s0+$0x100] =	vst v21  }
0x107: {  	v22 =	vor.u32 $0x200, v2;
	s15 =	sor.u32 s14, s1;
	s1 =	sor.u32 s13, s1;
	v21 =	vld [tilespmem:s4+$0x0];
	[tilespmem:s26+$0x10A00] =	vst v15  }
0x108: {  	v15 =	vld [tilespmem:s15+$0x0];
	[tilespmem:s2+$0x10A00] =	vst v16  }
0x109: {  	v16 =	vshll.u32 v24, $0x3;
	v23 =	vld [tilespmem:s1+$0x0];
	[tilespmem:s30+$0x10A00] =	vst v17  }
0x10a: {  	v17 =	vand.u32 $0x7F, v24;
	v16 =	vand.u32 $0xFFFFFC00, v16;
	v13 =	vld.idx.msk [tilespmem:v13+s19+$0x0], $0xffff;
	[tilespmem:s6+$0x180] =	vst v18;
	v18 =	vor.u32 $0x380, v1;
	v1 =	vmovc v2  }
0x10b: {  	p1 =	por !p1, !p1;
	s1 =	simm.s32 $0x1;
	v2 =	vor.u32 v17, v16;
	[tilespmem:s24+$0x180] =	vst v20;
	v16 =	vld.idx.msk [tilespmem:v19+s19+$0x0], $0xffff  }
0x10c: {  	s1 =	simm.s32 @!p1 $0x0;
	v17 =	vshll.u32 v21, $0x3;
	v19 =	vld.idx.msk [tilespmem:v22+s19+$0x0], $0xffff;
	[tilespmem:s29+$0x180] =	vst v14  }
0x10d: {  	s1 =	sshll.u32 s1, $0x6;
	v14 =	vand.u32 $0x7F, v21;
	v17 =	vand.u32 $0xFFFFFC00, v17;
	v20 =	vld.idx.msk [tilespmem:v12+s19+$0x0], $0xffff;
	v12 =	vor.u32 $0x280, v3  }
0x10e: {  	s6 =	sadd.s32 s1, s16;
	v21 =	vshll.u32 v15, $0x3;
	v22 =	vshll.u32 v23, $0x3;
	v17 =	vor.u32 v14, v17;
	v24 =	vld.idx.msk [tilespmem:v4+s19+$0x0], $0xffff;
	v4 =	vmovc v11  }
0x10f: {  	s23 =	sadd.s32 $0x10, s6;
	s24 =	sadd.s32 $0x20, s6;
	s15 =	sadd.s32 $0x30, s6;
	v11 =	vand.u32 $0x7F, v15;
	v14 =	vand.u32 $0xFFFFFC00, v21;
	v15 =	vand.u32 $0xFFFFFC00, v22;
	v18 =	vld.idx.msk [tilespmem:v18+s19+$0x0], $0xffff  }
0x110: {  	s29 =	sor.u32 $0x200, s23;
	s1 =	sor.u32 $0x200, s15;
	v11 =	vor.u32 v11, v14;
	v14 =	vand.u32 $0x7F, v23;
	v22 =	vor.u32 $0x280, v1;
	v21 =	vld.idx.msk [tilespmem:v2+s19+$0x0], $0xffff;
	[tilespmem:s0+$0x180] =	vst v13;
	s0 =	sor.u32 $0x200, s24  }
0x111: {  	s2 =	sor.u32 $0x200, s6;
	s28 =	sor.u32 $0x280, s23;
	s25 =	sor.u32 $0x280, s24;
	v23 =	vor.u32 $0x80, v11;
	v25 =	vor.u32 $0x100, v11;
	v15 =	vor.u32 v14, v15;
	v26 =	vld.idx.msk [tilespmem:v10+s19+$0x0], $0xffff;
	[tilespmem:s1+$0x10A00] =	vst v16  }
0x112: {  	s4 =	sor.u32 $0x280, s6;
	s26 =	sor.u32 $0x300, s24;
	v14 =	vor.u32 $0x180, v11;
	v16 =	vor.u32 $0x80, v15;
	v27 =	vor.u32 $0x100, v15;
	s1 =	sor.u32 $0x300, s23;
	[tilespmem:s2+$0x10A00] =	vst v19;
	v19 =	vld.idx.msk [tilespmem:v12+s19+$0x0], $0xffff  }
0x113: {  	s30 =	sor.u32 $0x380, s23;
	v13 =	vor.u32 $0x180, v15;
	v10 =	vor.u32 $0x200, v15;
	s23 =	sor.u32 $0x380, s24;
	v12 =	vor.u32 $0x200, v11;
	s2 =	sor.u32 $0x300, s6;
	v28 =	vld.idx.msk [tilespmem:v17+s19+$0x0], $0xffff;
	[tilespmem:s29+$0x10A00] =	vst v20  }
0x114: {  	v30 =	vor.u32 $0x300, v3;
	s6 =	sor.u32 $0x380, s6;
	v20 =	vor.u32 $0x280, v15;
	v29 =	vld.idx.msk [tilespmem:v9+s19+$0x0], $0xffff;
	v9 =	vor.u32 $0x280, v11;
	[tilespmem:s17+$0x10A00] =	vst v24;
	s17 =	smov.u32 s23  }
0x115: {  	s16 =	sadd.s32 $0x200, s16;
	v33 =	vor.u32 $0x80, v17;
	v31 =	vor.u32 $0x300, v11;
	v32 =	vor.u32 $0x300, v15;
	v24 =	vld.idx.msk [tilespmem:v11+s19+$0x0], $0xffff;
	[tilespmem:s7+$0x10A00] =	vst v18;
	s7 =	smov.u32 s6  }
0x116: {  	v34 =	vor.u32 $0x380, v11;
	s6 =	sand.u32 $0x3C00, s16;
	v18 =	vor.u32 $0x80, v2;
	v11 =	vor.u32 $0x380, v15;
	v35 =	vld.idx.msk [tilespmem:v15+s19+$0x0], $0xffff  }
0x117: {  	s23 =	sadd.s32 $0x10A00, s6;
	v36 =	vld.idx.msk [tilespmem:v22+s19+$0x0], $0xffff;
	[tilespmem:s0+$0x10A00] =	vst v26;
	s0 =	sor.u32 $0x280, s15  }
0x118: {  	s24 =	sor.u32 s11, s23;
	s29 =	sor.u32 s14, s23;
	s6 =	sor.u32 s12, s23;
	v15 =	vld.idx.msk [tilespmem:v8+s19+$0x0], $0xffff;
	[tilespmem:s0+$0x10A00] =	vst v19;
	v8 =	vmov v20  }
0x119: {  	s0 =	sor.u32 s13, s23;
	[tilespmem:s6+$0x0] =	vst v28;
	v19 =	vld.idx.msk [tilespmem:v30+s19+$0x0], $0xffff  }
0x11a: {  	[tilespmem:s24+$0x0] =	vst v21;
	v20 =	vld.idx.msk [tilespmem:v33+s19+$0x0], $0xffff  }
0x11b: {  	v21 =	vor.u32 $0x380, v3;
	v3 =	vmov v17;
	v18 =	vld.idx.msk [tilespmem:v18+s19+$0x0], $0xffff;
	[tilespmem:s29+$0x0] =	vst v24  }
0x11c: {  	v22 =	vor.u32 $0x100, v3;
	v17 =	vld.idx.msk [tilespmem:v23+s19+$0x0], $0xffff;
	[tilespmem:s0+$0x0] =	vst v35  }
0x11d: {  	v23 =	vor.u32 $0x100, v2;
	v16 =	vld.idx.msk [tilespmem:v16+s19+$0x0], $0xffff;
	[tilespmem:s28+$0x10A00] =	vst v29  }
0x11e: {  	s11 =	sor.u32 $0x300, s15;
	v24 =	vld.idx.msk [tilespmem:v7+s19+$0x0], $0xffff;
	[tilespmem:s25+$0x10A00] =	vst v15;
	v7 =	vmov v31  }
0x11f: {  	v15 =	vld.idx.msk [tilespmem:v6+s19+$0x0], $0xffff;
	[tilespmem:s11+$0x10A00] =	vst v19;
	v6 =	vmov v32  }
0x120: {  	v26 =	vor.u32 $0x300, v1;
	[tilespmem:s6+$0x80] =	vst v20;
	v28 =	vld.idx.msk [tilespmem:v21+s19+$0x0], $0xffff  }
0x121: {  	[tilespmem:s24+$0x80] =	vst v18;
	v20 =	vld.idx.msk [tilespmem:v22+s19+$0x0], $0xffff  }
.Ltmp2:
0x122: {  	v18 =	vld.idx.msk [tilespmem:v23+s19+$0x0], $0xffff;
	[tilespmem:s29+$0x80] =	vst v17;
	(pc) =	sbr.rel @p2 .LBB2_7-.Ltmp2, $4  }
0x123: {  	v23 =	vor.u32 $0x180, v3;
	v19 =	vld.idx.msk [tilespmem:v25+s19+$0x0], $0xffff;
	[tilespmem:s0+$0x80] =	vst v16  }
0x124: {  	v22 =	vor.u32 $0x180, v2;
	v21 =	vld.idx.msk [tilespmem:v27+s19+$0x0], $0xffff;
	[tilespmem:s4+$0x10A00] =	vst v36  }
0x125: {  	v16 =	vld.idx.msk [tilespmem:v26+s19+$0x0], $0xffff;
	[tilespmem:s1+$0x10A00] =	vst v24;
	s1 =	sor.u32 $0x380, s15  }
0x126: {  	s3 =	sadd.s32 $0x40, s3;
	v17 =	vld.idx.msk [tilespmem:v5+s19+$0x0], $0xffff;
	[tilespmem:s1+$0x10A00] =	vst v28;
	v5 =	vmov v34  }
0x127: {  	_ =	sdelay $0x2  }
0x128: {  	[tilespmem:s6+$0x100] =	vst v20  }
0x129: {  	v20 =	vld.idx.msk [tilespmem:v23+s19+$0x0], $0xffff;
	[tilespmem:s29+$0x100] =	vst v19  }
0x12a: {  	v19 =	vor.u32 $0x200, v3;
	v14 =	vld.idx.msk [tilespmem:v14+s19+$0x0], $0xffff;
	[tilespmem:s0+$0x100] =	vst v21  }
0x12b: {  	[tilespmem:s24+$0x100] =	vst v18;
	v13 =	vld.idx.msk [tilespmem:v13+s19+$0x0], $0xffff  }
0x12c: {  	v18 =	vld.idx.msk [tilespmem:v22+s19+$0x0], $0xffff  }
0x12d: {  	v21 =	vor.u32 $0x200, v2  }
0x12e: {  	p1 =	por !p1, !p1;
	s1 =	simm.s32 $0x1;
	[tilespmem:s6+$0x180] =	vst v20  }
0x12f: {  	s1 =	simm.s32 @!p1 $0x0;
	v19 =	vld.idx.msk [tilespmem:v19+s19+$0x0], $0xffff;
	[tilespmem:s29+$0x180] =	vst v14  }
0x130: {  	s1 =	sshll.u32 s1, $0x6;
	v14 =	vor.u32 $0x280, v3;
	v12 =	vld.idx.msk [tilespmem:v12+s19+$0x0], $0xffff;
	[tilespmem:s0+$0x180] =	vst v13  }
0x131: {  	[tilespmem:s24+$0x180] =	vst v18;
	s0 =	sadd.s32 s1, s16;
	v10 =	vld.idx.msk [tilespmem:v10+s19+$0x0], $0xffff  }
0x132: {  	v13 =	vld.idx.msk [tilespmem:v21+s19+$0x0], $0xffff;
	s1 =	sadd.s32 $0x30, s0  }
0x133: {  	v18 =	vor.u32 $0x280, v2;
	s3 =	sadd.s32 $0x10, s0;
	s4 =	sor.u32 $0x200, s1  }
0x134: {  	s12 =	sadd.s32 $0x20, s0;
	s10 =	sor.u32 $0x200, s3;
	[tilespmem:s4+$0x10A00] =	vst v19  }
0x135: {  	s13 =	sor.u32 $0x200, s12;
	v14 =	vld.idx.msk [tilespmem:v14+s19+$0x0], $0xffff;
	[tilespmem:s10+$0x10A00] =	vst v12  }
0x136: {  	s14 =	sor.u32 $0x200, s0;
	v12 =	vor.u32 $0x300, v3;
	v9 =	vld.idx.msk [tilespmem:v9+s19+$0x0], $0xffff;
	[tilespmem:s13+$0x10A00] =	vst v10  }
0x137: {  	[tilespmem:s14+$0x10A00] =	vst v13;
	v8 =	vld.idx.msk [tilespmem:v8+s19+$0x0], $0xffff  }
0x138: {  	v10 =	vld.idx.msk [tilespmem:v18+s19+$0x0], $0xffff  }
0x139: {  	[tilespmem:s26+$0x10A00] =	vst v15;
	s15 =	sor.u32 $0x280, s1;
	v13 =	vor.u32 $0x300, v2  }
0x13a: {  	s16 =	sor.u32 $0x280, s3;
	[tilespmem:s15+$0x10A00] =	vst v14  }
0x13b: {  	v1 =	vor.u32 $0x380, v1;
	s21 =	sor.u32 $0x280, s12;
	v12 =	vld.idx.msk [tilespmem:v12+s19+$0x0], $0xffff;
	[tilespmem:s16+$0x10A00] =	vst v9  }
0x13c: {  	s23 =	sor.u32 $0x280, s0;
	v3 =	vor.u32 $0x380, v3;
	v7 =	vld.idx.msk [tilespmem:v7+s19+$0x0], $0xffff;
	[tilespmem:s21+$0x10A00] =	vst v8  }
0x13d: {  	[tilespmem:s23+$0x10A00] =	vst v10;
	v6 =	vld.idx.msk [tilespmem:v6+s19+$0x0], $0xffff  }
0x13e: {  	[tilespmem:s2+$0x10A00] =	vst v16;
	v8 =	vld.idx.msk [tilespmem:v13+s19+$0x0], $0xffff  }
0x13f: {  	v4 =	vld.idx.msk [tilespmem:v4+s19+$0x0], $0xffff;
	[tilespmem:s30+$0x10A00] =	vst v17;
	s24 =	sor.u32 $0x300, s1;
	v2 =	vor.u32 $0x380, v2  }
0x140: {  	v1 =	vld.idx.msk [tilespmem:v1+s19+$0x0], $0xffff;
	s25 =	sor.u32 $0x300, s3;
	[tilespmem:s24+$0x10A00] =	vst v12  }
0x141: {  	s26 =	sor.u32 $0x300, s12;
	v3 =	vld.idx.msk [tilespmem:v3+s19+$0x0], $0xffff;
	[tilespmem:s25+$0x10A00] =	vst v7  }
0x142: {  	s28 =	sor.u32 $0x300, s0;
	v5 =	vld.idx.msk [tilespmem:v5+s19+$0x0], $0xffff;
	[tilespmem:s26+$0x10A00] =	vst v6  }
0x143: {  	[tilespmem:s28+$0x10A00] =	vst v8;
	v6 =	vld.idx.msk [tilespmem:v11+s19+$0x0], $0xffff  }
0x144: {  	[tilespmem:s17+$0x10A00] =	vst v4;
	v2 =	vld.idx.msk [tilespmem:v2+s19+$0x0], $0xffff  }
0x145: {  	[tilespmem:s7+$0x10A00] =	vst v1;
	s1 =	sor.u32 $0x380, s1  }
0x146: {  	s10 =	sor.u32 $0x380, s3;
	[tilespmem:s1+$0x10A00] =	vst v3  }
0x147: {  	s11 =	sor.u32 $0x380, s12;
	[tilespmem:s10+$0x10A00] =	vst v5  }
0x148: {  	p1 =	seq.s32 s8, $0x14;
	s0 =	sor.u32 $0x380, s0;
	s2 =	rddreg [dreg:$0xb];
	[tilespmem:s11+$0x10A00] =	vst v6  }
0x149: {  	[tilespmem:s0+$0x10A00] =	vst v2;
	s2 =	sadd.s32 @!p1 s9, s2  }
0x14a: {  	s12 =	rddreg [dreg:$0xc];
	s1 =	sshll.u32 @!p1 s2, $0xB  }
0x14b: {  	s2 =	simm.s32 @!p1 $0x4A00;
	s0 =	sadd.s32 @!p1 s31, s1;
	s1 =	simm.s32 @!p1 $0x0  }
0x14c: {  	[tilespmem:s2], [sflag:$0x2] =	stream.linear.gather @!p1 [hbm4b:s0+s1], $0x4000, $0x38;
	[tilespmem:$0x18A00] =	vst v63  }
0x14d: {  	s0 =	sadd.s32 s9, s12  }
0x14e: {  	s0 =	sshll.u32 s0, $0xB  }
0x14f: {  	s14 =	simm.s32 $0x3;
	s13 =	simm.s32 $0x10A00;
	s0 =	sadd.s32 s5, s0  }
0x150: {  	[hbm4b:s0+s22] =	stream.linear.scatter [tilespmem:s13], [sflag:$0x5], $0x4000, $0x38;
	[tilespmem:$0x18A00] =	vst v63  }
0x151: {  	_ =	swait.ge [sflag:s14], $0x4000  }
0x152: {  	[sflag:s14] =	ssyncset.done $0x0  }
0x153: {  	s15 =	simm.s32 $0x0;
	s0 =	simm.s32 @!p0 $0x6;
	[sflag:s14] =	ssyncadd.s32 $0xFFFFC000  }
0x154: {  	s16 =	sand.u32 $0x40, s15;
	_ =	swait.ge @!p0 [sflag:s0], $0x4000  }
0x155: {  	s17 =	sand.u32 $0x780, s15;
	s21 =	sor.u32 $0x30, s16;
	[sflag:s0] =	ssyncset.done @!p0 $0x0  }
0x156: {  	s23 =	sor.u32 s21, s17;
	[sflag:s0] =	ssyncadd.s32 @!p0 $0xFFFFC000  }
0x157: {  	v1 =	vld [tilespmem:s23+$0x0]  }
0x158: {  	s24 =	sor.u32 $0x10, s16;
	v2 =	vld [tilespmem:s15+$0x0]  }
0x159: {  	s25 =	sor.u32 $0x20, s16;
	s26 =	sor.u32 s24, s17  }
0x15a: {  	s3 =	sor.u32 s25, s17;
	v3 =	vld [tilespmem:s26+$0x0]  }
0x15b: {  	v4 =	vld [tilespmem:s3+$0x0]  }
0x15c: {  	v5 =	vshll.u32 v1, $0x3  }
0x15d: {  	v6 =	vshll.u32 v2, $0x3;
	v1 =	vand.u32 $0x7F, v1;
	v5 =	vand.u32 $0xFFFFFC00, v5  }
0x15e: {  	v2 =	vand.u32 $0x7F, v2;
	v7 =	vand.u32 $0xFFFFFC00, v6;
	v6 =	vor.u32 v1, v5  }
0x15f: {  	v1 =	vor.u32 v2, v7;
	v2 =	vshll.u32 v3, $0x3  }
0x160: {  	v5 =	vshll.u32 v4, $0x3;
	v3 =	vand.u32 $0x7F, v3;
	v2 =	vand.u32 $0xFFFFFC00, v2  }
0x161: {  	v7 =	vand.u32 $0xFFFFFC00, v5;
	v5 =	vor.u32 v3, v2;
	v2 =	vand.u32 $0x7F, v4  }
0x162: {  	v4 =	vor.u32 v2, v7  }
0x163: {  	v2 =	vld.idx.msk [tilespmem:v6+s20+$0x0], $0xffff  }
0x164: {  	v7 =	vor.u32 $0x80, v6;
	v3 =	vld.idx.msk [tilespmem:v1+s20+$0x0], $0xffff  }
0x165: {  	s1 =	sand.u32 $0x3C00, s15;
	v8 =	vor.u32 $0x80, v1  }
0x166: {  	s28 =	sadd.s32 $0x14A00, s1;
	v9 =	vld.idx.msk [tilespmem:v5+s20+$0x0], $0xffff  }
0x167: {  	s11 =	sor.u32 s21, s28;
	v10 =	vor.u32 $0x80, v5;
	v11 =	vld.idx.msk [tilespmem:v4+s20+$0x0], $0xffff  }
0x168: {  	s1 =	sor.u32 s16, s28;
	v12 =	vor.u32 $0x80, v4;
	[tilespmem:s11+$0x0] =	vst v2  }
0x169: {  	[tilespmem:s1+$0x0] =	vst v3;
	v2 =	vld.idx.msk [tilespmem:v7+s20+$0x0], $0xffff  }
0x16a: {  	s12 =	sor.u32 s24, s28;
	v3 =	vld.idx.msk [tilespmem:v8+s20+$0x0], $0xffff;
	v7 =	vor.u32 $0x100, v6  }
0x16b: {  	s0 =	sor.u32 s25, s28;
	v8 =	vor.u32 $0x100, v1;
	[tilespmem:s12+$0x0] =	vst v9  }
0x16c: {  	v9 =	vld.idx.msk [tilespmem:v10+s20+$0x0], $0xffff;
	[tilespmem:s0+$0x0] =	vst v11  }
0x16d: {  	v10 =	vor.u32 $0x100, v5;
	v11 =	vld.idx.msk [tilespmem:v12+s20+$0x0], $0xffff  }
0x16e: {  	v12 =	vor.u32 $0x100, v4;
	[tilespmem:s11+$0x80] =	vst v2  }
0x16f: {  	[tilespmem:s1+$0x80] =	vst v3;
	v2 =	vld.idx.msk [tilespmem:v7+s20+$0x0], $0xffff  }
0x170: {  	v3 =	vld.idx.msk [tilespmem:v8+s20+$0x0], $0xffff;
	v7 =	vor.u32 $0x180, v6  }
0x171: {  	v8 =	vor.u32 $0x180, v1;
	[tilespmem:s12+$0x80] =	vst v9  }
0x172: {  	v9 =	vld.idx.msk [tilespmem:v10+s20+$0x0], $0xffff;
	[tilespmem:s0+$0x80] =	vst v11  }
0x173: {  	s10 =	simm.s32 $0x40;
	v10 =	vor.u32 $0x180, v5;
	v11 =	vld.idx.msk [tilespmem:v12+s20+$0x0], $0xffff  }
0x174: {  	s2 =	sand.u32 $0x40, s10;
	v12 =	vld [tilespmem:s10+$0x0];
	[tilespmem:s11+$0x100] =	vst v2  }
0x175: {  	s21 =	sand.u32 $0x780, s10;
	s23 =	sor.u32 $0x30, s2;
	[tilespmem:s1+$0x100] =	vst v3;
	v2 =	vld.idx.msk [tilespmem:v7+s20+$0x0], $0xffff  }
0x176: {  	s24 =	sor.u32 s23, s21;
	v3 =	vor.u32 $0x180, v4;
	v7 =	vld.idx.msk [tilespmem:v8+s20+$0x0], $0xffff  }
0x177: {  	s25 =	sor.u32 $0x10, s2;
	v8 =	vor.u32 $0x200, v6;
	[tilespmem:s12+$0x100] =	vst v9;
	v9 =	vld [tilespmem:s24+$0x0]  }
0x178: {  	s26 =	sor.u32 $0x20, s2;
	s13 =	sor.u32 s25, s21;
	v10 =	vld.idx.msk [tilespmem:v10+s20+$0x0], $0xffff  }
0x179: {  	s3 =	sor.u32 s26, s21;
	v14 =	vld [tilespmem:s13+$0x0];
	v13 =	vor.u32 $0x200, v5;
	v15 =	vshll.u32 v12, $0x3  }
0x17a: {  	v16 =	vld [tilespmem:s3+$0x0];
	[tilespmem:s0+$0x100] =	vst v11;
	v11 =	vor.u32 $0x200, v1;
	v12 =	vand.u32 $0x7F, v12;
	v15 =	vand.u32 $0xFFFFFC00, v15  }
0x17b: {  	p0 =	por $0x0, $0x0;
	s3 =	simm.s32 $0x1;
	v17 =	vld.idx.msk [tilespmem:v3+s20+$0x0], $0xffff;
	[tilespmem:s11+$0x180] =	vst v2;
	v2 =	vor.u32 v12, v15  }
0x17c: {  	s3 =	simm.s32 @!p0 $0x0;
	v12 =	vor.u32 $0x200, v4;
	v8 =	vld.idx.msk [tilespmem:v8+s20+$0x0], $0xffff;
	v3 =	vshll.u32 v9, $0x3  }
0x17d: {  	s3 =	sshll.u32 s3, $0x6;
	v9 =	vand.u32 $0x7F, v9;
	[tilespmem:s12+$0x180] =	vst v10;
	v3 =	vand.u32 $0xFFFFFC00, v3;
	v10 =	vor.u32 $0x280, v6  }
0x17e: {  	s3 =	sadd.s32 $0x0, s3;
	v15 =	vor.u32 $0x280, v5;
	[tilespmem:s1+$0x180] =	vst v7;
	v7 =	vld.idx.msk [tilespmem:v13+s20+$0x0], $0xffff;
	v13 =	vshll.u32 v14, $0x3;
	v3 =	vor.u32 v9, v3  }
0x17f: {  	s1 =	sadd.s32 $0x30, s3;
	v9 =	vld.idx.msk [tilespmem:v11+s20+$0x0], $0xffff;
	v11 =	vshll.u32 v16, $0x3;
	v14 =	vand.u32 $0x7F, v14;
	v13 =	vand.u32 $0xFFFFFC00, v13  }
0x180: {  	s28 =	sor.u32 $0x200, s1;
	v11 =	vand.u32 $0xFFFFFC00, v11;
	[tilespmem:s0+$0x180] =	vst v17;
	v18 =	vld.idx.msk [tilespmem:v2+s20+$0x0], $0xffff;
	v22 =	vor.u32 v14, v13;
	v13 =	vand.u32 $0x7F, v16  }
0x181: {  	s4 =	sadd.s32 $0x10, s3;
	v12 =	vld.idx.msk [tilespmem:v12+s20+$0x0], $0xffff;
	v11 =	vor.u32 v13, v11;
	[tilespmem:s28+$0x14A00] =	vst v8  }
0x182: {  	s12 =	sor.u32 $0x200, s4;
	v8 =	vor.u32 $0x280, v1;
	v10 =	vld.idx.msk [tilespmem:v10+s20+$0x0], $0xffff  }
0x183: {  	s16 =	simm.s32 $0x200;
	s13 =	sor.u32 $0x200, s3;
	v13 =	vor.u32 $0x280, v4;
	v14 =	vld.idx.msk [tilespmem:v3+s20+$0x0], $0xffff;
	[tilespmem:s12+$0x14A00] =	vst v7  }
0x184: {  	s15 =	sand.u32 $0x3C00, s16;
	s11 =	sadd.s32 $0x20, s3;
	[tilespmem:s13+$0x14A00] =	vst v9;
	v9 =	vor.u32 $0x80, v2;
	v7 =	vld.idx.msk [tilespmem:v15+s20+$0x0], $0xffff  }
0x185: {  	s14 =	sor.u32 $0x200, s11;
	s12 =	sadd.s32 $0x14A00, s15;
	v15 =	vor.u32 $0x300, v6;
	v16 =	vld.idx.msk [tilespmem:v22+s20+$0x0], $0xffff  }
0x186: {  	v17 =	vor.u32 $0x80, v3;
	s24 =	sor.u32 s2, s12;
	[tilespmem:s14+$0x14A00] =	vst v12;
	v19 =	vld.idx.msk [tilespmem:v11+s20+$0x0], $0xffff  }
0x187: {  	s17 =	sor.u32 $0x280, s1;
	v20 =	vor.u32 $0x80, v22;
	[tilespmem:s24+$0x0] =	vst v18;
	v8 =	vld.idx.msk [tilespmem:v8+s20+$0x0], $0xffff  }
0x188: {  	s6 =	sor.u32 s23, s12;
	v12 =	vor.u32 $0x80, v11;
	v13 =	vld.idx.msk [tilespmem:v13+s20+$0x0], $0xffff;
	[tilespmem:s17+$0x14A00] =	vst v10  }
0x189: {  	s21 =	sor.u32 $0x280, s4;
	v10 =	vor.u32 $0x300, v5;
	[tilespmem:s6+$0x0] =	vst v14;
	v9 =	vld.idx.msk [tilespmem:v9+s20+$0x0], $0xffff  }
0x18a: {  	s29 =	sor.u32 s25, s12;
	v14 =	vld.idx.msk [tilespmem:v15+s20+$0x0], $0xffff;
	v15 =	vor.u32 $0x300, v4;
	[tilespmem:s21+$0x14A00] =	vst v7  }
0x18b: {  	s0 =	sor.u32 s26, s12;
	v6 =	vor.u32 $0x380, v6;
	v17 =	vld.idx.msk [tilespmem:v17+s20+$0x0], $0xffff;
	[tilespmem:s29+$0x0] =	vst v16  }
0x18c: {  	s23 =	sor.u32 $0x280, s11;
	v18 =	vor.u32 $0x100, v3;
	v16 =	vld.idx.msk [tilespmem:v20+s20+$0x0], $0xffff;
	[tilespmem:s0+$0x0] =	vst v19  }
0x18d: {  	v19 =	vor.u32 $0x100, v2;
	[tilespmem:s23+$0x14A00] =	vst v13;
	v21 =	vld.idx.msk [tilespmem:v12+s20+$0x0], $0xffff  }
0x18e: {  	s25 =	sor.u32 $0x300, s1;
	v7 =	vor.u32 $0x100, v22;
	v23 =	vld.idx.msk [tilespmem:v10+s20+$0x0], $0xffff;
	[tilespmem:s24+$0x80] =	vst v9  }
0x18f: {  	v24 =	vor.u32 $0x100, v11;
	v15 =	vld.idx.msk [tilespmem:v15+s20+$0x0], $0xffff;
	[tilespmem:s25+$0x14A00] =	vst v14  }
0x190: {  	[tilespmem:s6+$0x80] =	vst v17;
	v17 =	vor.u32 $0x300, v1;
	v25 =	vld.idx.msk [tilespmem:v6+s20+$0x0], $0xffff  }
0x191: {  	v26 =	vor.u32 $0x380, v5;
	v20 =	vld.idx.msk [tilespmem:v18+s20+$0x0], $0xffff;
	[tilespmem:s29+$0x80] =	vst v16  }
0x192: {  	s28 =	sor.u32 $0x300, s4;
	v5 =	vor.u32 $0x380, v22;
	v18 =	vld.idx.msk [tilespmem:v19+s20+$0x0], $0xffff;
	[tilespmem:s0+$0x80] =	vst v21  }
0x193: {  	s26 =	sor.u32 $0x280, s3;
	v12 =	vor.u32 $0x200, v22;
	v9 =	vor.u32 $0x280, v22;
	v19 =	vld.idx.msk [tilespmem:v7+s20+$0x0], $0xffff;
	[tilespmem:s28+$0x14A00] =	vst v23;
	v23 =	vor.u32 $0x180, v3  }
0x194: {  	s7 =	sor.u32 $0x380, s3;
	s30 =	sor.u32 $0x380, s4;
	[tilespmem:s26+$0x14A00] =	vst v8;
	v14 =	vor.u32 $0x180, v22;
	v7 =	vor.u32 $0x300, v22;
	v22 =	vor.u32 $0x180, v2;
	v21 =	vld.idx.msk [tilespmem:v24+s20+$0x0], $0xffff  }
0x195: {  	s2 =	sor.u32 $0x300, s3;
	s1 =	sor.u32 $0x380, s1;
	s3 =	simm.s32 $0x80;
	v4 =	vor.u32 $0x380, v4;
	v13 =	vor.u32 $0x180, v11;
	v8 =	vor.u32 $0x280, v11;
	v16 =	vld.idx.msk [tilespmem:v17+s20+$0x0], $0xffff  }
0x196: {  	s17 =	sor.u32 $0x380, s11;
	s21 =	simm.s32 $0x4;
	s26 =	sor.u32 $0x300, s11;
	v10 =	vor.u32 $0x200, v11;
	v6 =	vor.u32 $0x300, v11;
	v11 =	vor.u32 $0x380, v11;
	v17 =	vld.idx.msk [tilespmem:v26+s20+$0x0], $0xffff;
	[tilespmem:s1+$0x14A00] =	vst v25  }
.LBB2_9:
0x197: {  	v24 =	vld [tilespmem:s3+$0x0];
	[tilespmem:s6+$0x100] =	vst v20;
	s10 =	sadd.s32 $0x40, s10  }
0x198: {  	s21 =	sadd.s32 $0x4, s21;
	s11 =	sand.u32 $0x40, s10;
	[tilespmem:s24+$0x100] =	vst v18;
	v18 =	vld.idx.msk [tilespmem:v23+s20+$0x0], $0xffff  }
0x199: {  	s1 =	sand.u32 $0x780, s10;
	p2 =	slt.u32 s21, $0x7C;
	s12 =	sor.u32 $0x30, s11;
	v20 =	vld.idx.msk [tilespmem:v22+s20+$0x0], $0xffff;
	[tilespmem:s29+$0x100] =	vst v19  }
0x19a: {  	s14 =	sor.u32 $0x10, s11;
	s13 =	sor.u32 $0x20, s11;
	v19 =	vor.u32 $0x200, v3;
	s4 =	sor.u32 s12, s1;
	v14 =	vld.idx.msk [tilespmem:v14+s20+$0x0], $0xffff;
	[tilespmem:s0+$0x100] =	vst v21  }
0x19b: {  	v22 =	vor.u32 $0x200, v2;
	s15 =	sor.u32 s14, s1;
	s1 =	sor.u32 s13, s1;
	v21 =	vld [tilespmem:s4+$0x0];
	[tilespmem:s26+$0x14A00] =	vst v15  }
0x19c: {  	v15 =	vld [tilespmem:s15+$0x0];
	[tilespmem:s2+$0x14A00] =	vst v16  }
0x19d: {  	v16 =	vshll.u32 v24, $0x3;
	v23 =	vld [tilespmem:s1+$0x0];
	[tilespmem:s30+$0x14A00] =	vst v17  }
0x19e: {  	v17 =	vand.u32 $0x7F, v24;
	v16 =	vand.u32 $0xFFFFFC00, v16;
	v13 =	vld.idx.msk [tilespmem:v13+s20+$0x0], $0xffff;
	[tilespmem:s6+$0x180] =	vst v18;
	v18 =	vor.u32 $0x380, v1;
	v1 =	vmovc v2  }
0x19f: {  	p0 =	por !p0, !p0;
	s1 =	simm.s32 $0x1;
	v2 =	vor.u32 v17, v16;
	[tilespmem:s24+$0x180] =	vst v20;
	v16 =	vld.idx.msk [tilespmem:v19+s20+$0x0], $0xffff  }
0x1a0: {  	s1 =	simm.s32 @!p0 $0x0;
	v17 =	vshll.u32 v21, $0x3;
	v19 =	vld.idx.msk [tilespmem:v22+s20+$0x0], $0xffff;
	[tilespmem:s29+$0x180] =	vst v14  }
0x1a1: {  	s1 =	sshll.u32 s1, $0x6;
	v14 =	vand.u32 $0x7F, v21;
	v17 =	vand.u32 $0xFFFFFC00, v17;
	v20 =	vld.idx.msk [tilespmem:v12+s20+$0x0], $0xffff;
	v12 =	vor.u32 $0x280, v3  }
0x1a2: {  	s6 =	sadd.s32 s1, s16;
	v21 =	vshll.u32 v15, $0x3;
	v22 =	vshll.u32 v23, $0x3;
	v17 =	vor.u32 v14, v17;
	v24 =	vld.idx.msk [tilespmem:v4+s20+$0x0], $0xffff;
	v4 =	vmovc v11  }
0x1a3: {  	s23 =	sadd.s32 $0x10, s6;
	s24 =	sadd.s32 $0x20, s6;
	s15 =	sadd.s32 $0x30, s6;
	v11 =	vand.u32 $0x7F, v15;
	v14 =	vand.u32 $0xFFFFFC00, v21;
	v15 =	vand.u32 $0xFFFFFC00, v22;
	v18 =	vld.idx.msk [tilespmem:v18+s20+$0x0], $0xffff  }
0x1a4: {  	s29 =	sor.u32 $0x200, s23;
	s1 =	sor.u32 $0x200, s15;
	v11 =	vor.u32 v11, v14;
	v14 =	vand.u32 $0x7F, v23;
	v22 =	vor.u32 $0x280, v1;
	v21 =	vld.idx.msk [tilespmem:v2+s20+$0x0], $0xffff;
	[tilespmem:s0+$0x180] =	vst v13;
	s0 =	sor.u32 $0x200, s24  }
0x1a5: {  	s2 =	sor.u32 $0x200, s6;
	s28 =	sor.u32 $0x280, s23;
	s25 =	sor.u32 $0x280, s24;
	v23 =	vor.u32 $0x80, v11;
	v25 =	vor.u32 $0x100, v11;
	v15 =	vor.u32 v14, v15;
	v26 =	vld.idx.msk [tilespmem:v10+s20+$0x0], $0xffff;
	[tilespmem:s1+$0x14A00] =	vst v16  }
0x1a6: {  	s4 =	sor.u32 $0x280, s6;
	s26 =	sor.u32 $0x300, s24;
	v14 =	vor.u32 $0x180, v11;
	v16 =	vor.u32 $0x80, v15;
	v27 =	vor.u32 $0x100, v15;
	s1 =	sor.u32 $0x300, s23;
	[tilespmem:s2+$0x14A00] =	vst v19;
	v19 =	vld.idx.msk [tilespmem:v12+s20+$0x0], $0xffff  }
0x1a7: {  	s30 =	sor.u32 $0x380, s23;
	v13 =	vor.u32 $0x180, v15;
	v10 =	vor.u32 $0x200, v15;
	s23 =	sor.u32 $0x380, s24;
	v12 =	vor.u32 $0x200, v11;
	s2 =	sor.u32 $0x300, s6;
	v28 =	vld.idx.msk [tilespmem:v17+s20+$0x0], $0xffff;
	[tilespmem:s29+$0x14A00] =	vst v20  }
0x1a8: {  	v30 =	vor.u32 $0x300, v3;
	s6 =	sor.u32 $0x380, s6;
	v20 =	vor.u32 $0x280, v15;
	v29 =	vld.idx.msk [tilespmem:v9+s20+$0x0], $0xffff;
	v9 =	vor.u32 $0x280, v11;
	[tilespmem:s17+$0x14A00] =	vst v24;
	s17 =	smov.u32 s23  }
0x1a9: {  	s16 =	sadd.s32 $0x200, s16;
	v33 =	vor.u32 $0x80, v17;
	v31 =	vor.u32 $0x300, v11;
	v32 =	vor.u32 $0x300, v15;
	v24 =	vld.idx.msk [tilespmem:v11+s20+$0x0], $0xffff;
	[tilespmem:s7+$0x14A00] =	vst v18;
	s7 =	smov.u32 s6  }
0x1aa: {  	v34 =	vor.u32 $0x380, v11;
	s6 =	sand.u32 $0x3C00, s16;
	v18 =	vor.u32 $0x80, v2;
	v11 =	vor.u32 $0x380, v15;
	v35 =	vld.idx.msk [tilespmem:v15+s20+$0x0], $0xffff  }
0x1ab: {  	s23 =	sadd.s32 $0x14A00, s6;
	v36 =	vld.idx.msk [tilespmem:v22+s20+$0x0], $0xffff;
	[tilespmem:s0+$0x14A00] =	vst v26;
	s0 =	sor.u32 $0x280, s15  }
0x1ac: {  	s24 =	sor.u32 s11, s23;
	s29 =	sor.u32 s14, s23;
	s6 =	sor.u32 s12, s23;
	v15 =	vld.idx.msk [tilespmem:v8+s20+$0x0], $0xffff;
	[tilespmem:s0+$0x14A00] =	vst v19;
	v8 =	vmov v20  }
0x1ad: {  	s0 =	sor.u32 s13, s23;
	[tilespmem:s6+$0x0] =	vst v28;
	v19 =	vld.idx.msk [tilespmem:v30+s20+$0x0], $0xffff  }
0x1ae: {  	[tilespmem:s24+$0x0] =	vst v21;
	v20 =	vld.idx.msk [tilespmem:v33+s20+$0x0], $0xffff  }
0x1af: {  	v21 =	vor.u32 $0x380, v3;
	v3 =	vmov v17;
	v18 =	vld.idx.msk [tilespmem:v18+s20+$0x0], $0xffff;
	[tilespmem:s29+$0x0] =	vst v24  }
0x1b0: {  	v22 =	vor.u32 $0x100, v3;
	v17 =	vld.idx.msk [tilespmem:v23+s20+$0x0], $0xffff;
	[tilespmem:s0+$0x0] =	vst v35  }
0x1b1: {  	v23 =	vor.u32 $0x100, v2;
	v16 =	vld.idx.msk [tilespmem:v16+s20+$0x0], $0xffff;
	[tilespmem:s28+$0x14A00] =	vst v29  }
0x1b2: {  	s11 =	sor.u32 $0x300, s15;
	v24 =	vld.idx.msk [tilespmem:v7+s20+$0x0], $0xffff;
	[tilespmem:s25+$0x14A00] =	vst v15;
	v7 =	vmov v31  }
0x1b3: {  	v15 =	vld.idx.msk [tilespmem:v6+s20+$0x0], $0xffff;
	[tilespmem:s11+$0x14A00] =	vst v19;
	v6 =	vmov v32  }
0x1b4: {  	v26 =	vor.u32 $0x300, v1;
	[tilespmem:s6+$0x80] =	vst v20;
	v28 =	vld.idx.msk [tilespmem:v21+s20+$0x0], $0xffff  }
0x1b5: {  	[tilespmem:s24+$0x80] =	vst v18;
	v20 =	vld.idx.msk [tilespmem:v22+s20+$0x0], $0xffff  }
.Ltmp3:
0x1b6: {  	v18 =	vld.idx.msk [tilespmem:v23+s20+$0x0], $0xffff;
	[tilespmem:s29+$0x80] =	vst v17;
	(pc) =	sbr.rel @p2 .LBB2_9-.Ltmp3, $4  }
0x1b7: {  	v23 =	vor.u32 $0x180, v3;
	v19 =	vld.idx.msk [tilespmem:v25+s20+$0x0], $0xffff;
	[tilespmem:s0+$0x80] =	vst v16  }
0x1b8: {  	v22 =	vor.u32 $0x180, v2;
	v21 =	vld.idx.msk [tilespmem:v27+s20+$0x0], $0xffff;
	[tilespmem:s4+$0x14A00] =	vst v36  }
0x1b9: {  	v16 =	vld.idx.msk [tilespmem:v26+s20+$0x0], $0xffff;
	[tilespmem:s1+$0x14A00] =	vst v24;
	s1 =	sor.u32 $0x380, s15  }
0x1ba: {  	s3 =	sadd.s32 $0x40, s3;
	v17 =	vld.idx.msk [tilespmem:v5+s20+$0x0], $0xffff;
	[tilespmem:s1+$0x14A00] =	vst v28;
	v5 =	vmov v34  }
0x1bb: {  	_ =	sdelay $0x2  }
0x1bc: {  	[tilespmem:s6+$0x100] =	vst v20  }
0x1bd: {  	v20 =	vld.idx.msk [tilespmem:v23+s20+$0x0], $0xffff;
	[tilespmem:s29+$0x100] =	vst v19  }
0x1be: {  	v55 =	vor.u32 $0x200, v3;
	v14 =	vld.idx.msk [tilespmem:v14+s20+$0x0], $0xffff  }
0x1bf: {  	[tilespmem:s0+$0x100] =	vst v21  }
0x1c0: {  	v13 =	vld.idx.msk [tilespmem:v13+s20+$0x0], $0xffff  }
0x1c1: {  	[tilespmem:s24+$0x100] =	vst v18  }
0x1c2: {  	p0 =	por !p0, !p0;
	s1 =	simm.s32 $0x1;
	v18 =	vld.idx.msk [tilespmem:v22+s20+$0x0], $0xffff;
	[tilespmem:s6+$0x180] =	vst v20  }
0x1c3: {  	v56 =	vor.u32 $0x200, v2;
	s1 =	simm.s32 @!p0 $0x0;
	v19 =	vld.idx.msk [tilespmem:v55+s20+$0x0], $0xffff;
	[tilespmem:s29+$0x180] =	vst v14  }
0x1c4: {  	v57 =	vor.u32 $0x280, v3;
	s1 =	sshll.u32 s1, $0x6;
	v12 =	vld.idx.msk [tilespmem:v12+s20+$0x0], $0xffff  }
0x1c5: {  	[tilespmem:s0+$0x180] =	vst v13;
	s0 =	sadd.s32 s1, s16  }
0x1c6: {  	s1 =	sadd.s32 $0x30, s0  }
0x1c7: {  	[tilespmem:s24+$0x180] =	vst v18;
	v10 =	vld.idx.msk [tilespmem:v10+s20+$0x0], $0xffff;
	s3 =	sadd.s32 $0x10, s0;
	s4 =	sor.u32 $0x200, s1  }
0x1c8: {  	v58 =	vld.idx.msk [tilespmem:v56+s20+$0x0], $0xffff;
	s10 =	sor.u32 $0x200, s3;
	[tilespmem:s4+$0x14A00] =	vst v19  }
0x1c9: {  	v59 =	vor.u32 $0x280, v2;
	v14 =	vld.idx.msk [tilespmem:v57+s20+$0x0], $0xffff;
	[tilespmem:s10+$0x14A00] =	vst v12  }
0x1ca: {  	v60 =	vor.u32 $0x300, v3;
	s29 =	sadd.s32 $0x20, s0;
	v9 =	vld.idx.msk [tilespmem:v9+s20+$0x0], $0xffff  }
0x1cb: {  	[tilespmem:s26+$0x14A00] =	vst v15;
	s11 =	sor.u32 $0x200, s29  }
0x1cc: {  	s12 =	sor.u32 $0x200, s0;
	[tilespmem:s11+$0x14A00] =	vst v10  }
0x1cd: {  	v1 =	vor.u32 $0x380, v1;
	s13 =	sor.u32 $0x280, s1;
	[tilespmem:s12+$0x14A00] =	vst v58;
	v8 =	vld.idx.msk [tilespmem:v8+s20+$0x0], $0xffff  }
0x1ce: {  	s14 =	sor.u32 $0x280, s3;
	v61 =	vld.idx.msk [tilespmem:v59+s20+$0x0], $0xffff;
	[tilespmem:s13+$0x14A00] =	vst v14  }
0x1cf: {  	v62 =	vor.u32 $0x300, v2;
	v12 =	vld.idx.msk [tilespmem:v60+s20+$0x0], $0xffff;
	[tilespmem:s14+$0x14A00] =	vst v9  }
0x1d0: {  	v3 =	vor.u32 $0x380, v3;
	[tilespmem:s2+$0x14A00] =	vst v16;
	v7 =	vld.idx.msk [tilespmem:v7+s20+$0x0], $0xffff  }
0x1d1: {  	v4 =	vld.idx.msk [tilespmem:v4+s20+$0x0], $0xffff;
	[tilespmem:s30+$0x14A00] =	vst v17;
	s15 =	sor.u32 $0x280, s29  }
0x1d2: {  	v1 =	vld.idx.msk [tilespmem:v1+s20+$0x0], $0xffff;
	s16 =	sor.u32 $0x280, s0;
	[tilespmem:s15+$0x14A00] =	vst v8  }
0x1d3: {  	s21 =	sor.u32 $0x300, s1;
	[tilespmem:s16+$0x14A00] =	vst v61;
	v6 =	vld.idx.msk [tilespmem:v6+s20+$0x0], $0xffff  }
0x1d4: {  	s23 =	sor.u32 $0x300, s3;
	v63 =	vld.idx.msk [tilespmem:v62+s20+$0x0], $0xffff;
	[tilespmem:s21+$0x14A00] =	vst v12  }
0x1d5: {  	v2 =	vor.u32 $0x380, v2;
	v3 =	vld.idx.msk [tilespmem:v3+s20+$0x0], $0xffff;
	[tilespmem:s23+$0x14A00] =	vst v7  }
0x1d6: {  	[tilespmem:s17+$0x14A00] =	vst v4;
	v5 =	vld.idx.msk [tilespmem:v5+s20+$0x0], $0xffff  }
0x1d7: {  	s24 =	sor.u32 $0x300, s29;
	[tilespmem:s7+$0x14A00] =	vst v1  }
0x1d8: {  	s25 =	sor.u32 $0x300, s0;
	[tilespmem:s24+$0x14A00] =	vst v6  }
0x1d9: {  	s1 =	sor.u32 $0x380, s1;
	[tilespmem:s25+$0x14A00] =	vst v63;
	v6 =	vld.idx.msk [tilespmem:v11+s20+$0x0], $0xffff  }
0x1da: {  	s26 =	sor.u32 $0x380, s3;
	v2 =	vld.idx.msk [tilespmem:v2+s20+$0x0], $0xffff;
	[tilespmem:s1+$0x14A00] =	vst v3  }
0x1db: {  	[tilespmem:s26+$0x14A00] =	vst v5  }
0x1dc: {  	s2 =	rddreg [dreg:$0xd]  }
0x1dd: {  	s8 =	sadd.s32 $0x1, s8;
	s28 =	sor.u32 $0x380, s29;
	s2 =	sadd.s32 @!p1 s9, s2  }
0x1de: {  	p0 =	sne.s32 s8, $0x15;
	s0 =	sor.u32 $0x380, s0;
	[tilespmem:s28+$0x14A00] =	vst v6;
	s1 =	sshll.u32 @!p1 s2, $0xB  }
0x1df: {  	[tilespmem:s0+$0x14A00] =	vst v2;
	s2 =	simm.s32 @!p1 $0x8A00;
	s0 =	sadd.s32 @!p1 s31, s1;
	s1 =	simm.s32 @!p1 $0x0  }
0x1e0: {  	[tilespmem:s2], [sflag:$0x3] =	stream.linear.gather @!p1 [hbm4b:s0+s1], $0x4000, $0x38;
	[tilespmem:$0x18A00] =	vst v63  }
.Ltmp4:
0x1e1: {  	s29 =	rddreg [dreg:$0xe];
	(pc) =	sbr.rel @p0 .LBB2_4-.Ltmp4, $4  }
0x1e2: {  	s0 =	sadd.s32 s9, s29  }
0x1e3: {  	s0 =	sshll.u32 s0, $0xB  }
0x1e4: {  	s30 =	simm.s32 $0x14A00;
	s0 =	sadd.s32 s5, s0  }
0x1e5: {  	[hbm4b:s0+s22] =	stream.linear.scatter [tilespmem:s30], [sflag:$0x6], $0x4000, $0x38;
	[tilespmem:$0x18A00] =	vst v63  }
0x1e6: {  	s0 =	simm.s32 $0x1  }
0x1e7: {  	_ =	swait.ge [sflag:s0], $0x4000  }
0x1e8: {  	[sflag:s0] =	ssyncset.done $0x0  }
0x1e9: {  	s21 =	simm.s32 $0x0;
	s28 =	simm.s32 $0x4;
	[sflag:s0] =	ssyncadd.s32 $0xFFFFC000  }
0x1ea: {  	s1 =	sand.u32 $0x40, s21;
	_ =	swait.ge [sflag:s28], $0x4000  }
0x1eb: {  	s2 =	sand.u32 $0x780, s21;
	s3 =	sor.u32 $0x30, s1;
	[sflag:s28] =	ssyncset.done $0x0  }
0x1ec: {  	s4 =	sor.u32 s3, s2;
	[sflag:s28] =	ssyncadd.s32 $0xFFFFC000  }
0x1ed: {  	v1 =	vld [tilespmem:s4+$0x0]  }
0x1ee: {  	s22 =	sor.u32 $0x10, s1;
	v2 =	vld [tilespmem:s21+$0x0]  }
0x1ef: {  	s6 =	sor.u32 $0x20, s1;
	s7 =	sor.u32 s22, s2  }
0x1f0: {  	s2 =	sor.u32 s6, s2;
	v3 =	vld [tilespmem:s7+$0x0]  }
0x1f1: {  	v4 =	vld [tilespmem:s2+$0x0]  }
0x1f2: {  	v5 =	vshll.u32 v1, $0x3  }
0x1f3: {  	v6 =	vshll.u32 v2, $0x3;
	v1 =	vand.u32 $0x7F, v1;
	v5 =	vand.u32 $0xFFFFFC00, v5  }
0x1f4: {  	v2 =	vand.u32 $0x7F, v2;
	v7 =	vand.u32 $0xFFFFFC00, v6;
	v6 =	vor.u32 v1, v5  }
0x1f5: {  	v1 =	vor.u32 v2, v7;
	v2 =	vshll.u32 v3, $0x3  }
0x1f6: {  	v5 =	vshll.u32 v4, $0x3;
	v3 =	vand.u32 $0x7F, v3;
	v2 =	vand.u32 $0xFFFFFC00, v2  }
0x1f7: {  	v7 =	vand.u32 $0xFFFFFC00, v5;
	v5 =	vor.u32 v3, v2;
	v2 =	vand.u32 $0x7F, v4  }
0x1f8: {  	v4 =	vor.u32 v2, v7  }
0x1f9: {  	v2 =	vld.idx.msk [tilespmem:v6+s18+$0x0], $0xffff  }
0x1fa: {  	v7 =	vor.u32 $0x80, v6;
	v3 =	vld.idx.msk [tilespmem:v1+s18+$0x0], $0xffff  }
0x1fb: {  	s0 =	sand.u32 $0x3C00, s21;
	v8 =	vor.u32 $0x80, v1  }
0x1fc: {  	s0 =	sadd.s32 $0xCA00, s0;
	v9 =	vld.idx.msk [tilespmem:v5+s18+$0x0], $0xffff  }
0x1fd: {  	s3 =	sor.u32 s3, s0;
	v10 =	vor.u32 $0x80, v5;
	v11 =	vld.idx.msk [tilespmem:v4+s18+$0x0], $0xffff  }
0x1fe: {  	s1 =	sor.u32 s1, s0;
	v12 =	vor.u32 $0x80, v4;
	[tilespmem:s3+$0x0] =	vst v2  }
0x1ff: {  	[tilespmem:s1+$0x0] =	vst v3;
	v2 =	vld.idx.msk [tilespmem:v7+s18+$0x0], $0xffff  }
0x200: {  	s9 =	sor.u32 s22, s0;
	v3 =	vld.idx.msk [tilespmem:v8+s18+$0x0], $0xffff;
	v7 =	vor.u32 $0x100, v6  }
0x201: {  	s23 =	sor.u32 s6, s0;
	v8 =	vor.u32 $0x100, v1;
	[tilespmem:s9+$0x0] =	vst v9  }
0x202: {  	v9 =	vld.idx.msk [tilespmem:v10+s18+$0x0], $0xffff;
	[tilespmem:s23+$0x0] =	vst v11  }
0x203: {  	v10 =	vor.u32 $0x100, v5;
	v11 =	vld.idx.msk [tilespmem:v12+s18+$0x0], $0xffff  }
0x204: {  	v12 =	vor.u32 $0x100, v4;
	[tilespmem:s3+$0x80] =	vst v2  }
0x205: {  	[tilespmem:s1+$0x80] =	vst v3;
	v2 =	vld.idx.msk [tilespmem:v7+s18+$0x0], $0xffff  }
0x206: {  	v3 =	vld.idx.msk [tilespmem:v8+s18+$0x0], $0xffff;
	v7 =	vor.u32 $0x180, v6  }
0x207: {  	v8 =	vor.u32 $0x180, v1;
	[tilespmem:s9+$0x80] =	vst v9  }
0x208: {  	v9 =	vld.idx.msk [tilespmem:v10+s18+$0x0], $0xffff;
	[tilespmem:s23+$0x80] =	vst v11  }
0x209: {  	s8 =	simm.s32 $0x40;
	v10 =	vor.u32 $0x180, v5;
	v11 =	vld.idx.msk [tilespmem:v12+s18+$0x0], $0xffff  }
0x20a: {  	s24 =	sand.u32 $0x40, s8;
	v12 =	vld [tilespmem:s8+$0x0];
	[tilespmem:s3+$0x100] =	vst v2  }
0x20b: {  	s10 =	sand.u32 $0x780, s8;
	s25 =	sor.u32 $0x30, s24;
	[tilespmem:s1+$0x100] =	vst v3;
	v2 =	vld.idx.msk [tilespmem:v7+s18+$0x0], $0xffff  }
0x20c: {  	s26 =	sor.u32 s25, s10;
	v3 =	vor.u32 $0x180, v4;
	v7 =	vld.idx.msk [tilespmem:v8+s18+$0x0], $0xffff  }
0x20d: {  	s29 =	sor.u32 $0x10, s24;
	v8 =	vor.u32 $0x200, v6;
	[tilespmem:s9+$0x100] =	vst v9;
	v9 =	vld [tilespmem:s26+$0x0]  }
0x20e: {  	s30 =	sor.u32 $0x20, s24;
	s11 =	sor.u32 s29, s10;
	v10 =	vld.idx.msk [tilespmem:v10+s18+$0x0], $0xffff  }
0x20f: {  	s10 =	sor.u32 s30, s10;
	v14 =	vld [tilespmem:s11+$0x0];
	v13 =	vor.u32 $0x200, v5;
	v15 =	vshll.u32 v12, $0x3  }
0x210: {  	v16 =	vld [tilespmem:s10+$0x0];
	[tilespmem:s23+$0x100] =	vst v11;
	v11 =	vor.u32 $0x200, v1;
	v12 =	vand.u32 $0x7F, v12;
	v15 =	vand.u32 $0xFFFFFC00, v15  }
0x211: {  	p0 =	por $0x0, $0x0;
	v17 =	vld.idx.msk [tilespmem:v3+s18+$0x0], $0xffff;
	[tilespmem:s3+$0x180] =	vst v2;
	v2 =	vor.u32 v12, v15;
	s3 =	simm.s32 $0x1  }
0x212: {  	v12 =	vor.u32 $0x200, v4;
	v8 =	vld.idx.msk [tilespmem:v8+s18+$0x0], $0xffff;
	v3 =	vshll.u32 v9, $0x3;
	s3 =	simm.s32 @!p0 $0x0  }
0x213: {  	v9 =	vand.u32 $0x7F, v9;
	[tilespmem:s9+$0x180] =	vst v10;
	v3 =	vand.u32 $0xFFFFFC00, v3;
	s3 =	sshll.u32 s3, $0x6;
	v10 =	vor.u32 $0x280, v6  }
0x214: {  	v15 =	vor.u32 $0x280, v5;
	[tilespmem:s1+$0x180] =	vst v7;
	v7 =	vld.idx.msk [tilespmem:v13+s18+$0x0], $0xffff;
	v13 =	vshll.u32 v14, $0x3;
	v3 =	vor.u32 v9, v3;
	s3 =	sadd.s32 $0x0, s3  }
0x215: {  	v9 =	vld.idx.msk [tilespmem:v11+s18+$0x0], $0xffff;
	v11 =	vshll.u32 v16, $0x3;
	v14 =	vand.u32 $0x7F, v14;
	v13 =	vand.u32 $0xFFFFFC00, v13;
	s10 =	sadd.s32 $0x30, s3  }
0x216: {  	v11 =	vand.u32 $0xFFFFFC00, v11;
	[tilespmem:s23+$0x180] =	vst v17;
	v18 =	vld.idx.msk [tilespmem:v2+s18+$0x0], $0xffff;
	v22 =	vor.u32 v14, v13;
	v13 =	vand.u32 $0x7F, v16;
	s12 =	sor.u32 $0x200, s10  }
0x217: {  	s13 =	sadd.s32 $0x10, s3;
	v12 =	vld.idx.msk [tilespmem:v12+s18+$0x0], $0xffff;
	v11 =	vor.u32 v13, v11;
	[tilespmem:s12+$0xCA00] =	vst v8  }
0x218: {  	s14 =	sor.u32 $0x200, s13;
	v8 =	vor.u32 $0x280, v1;
	v10 =	vld.idx.msk [tilespmem:v10+s18+$0x0], $0xffff  }
0x219: {  	s9 =	simm.s32 $0x200;
	s17 =	sor.u32 $0x200, s3;
	v13 =	vor.u32 $0x280, v4;
	v14 =	vld.idx.msk [tilespmem:v3+s18+$0x0], $0xffff;
	[tilespmem:s14+$0xCA00] =	vst v7  }
0x21a: {  	s21 =	sand.u32 $0x3C00, s9;
	s15 =	sadd.s32 $0x20, s3;
	[tilespmem:s17+$0xCA00] =	vst v9;
	v9 =	vor.u32 $0x80, v2;
	v7 =	vld.idx.msk [tilespmem:v15+s18+$0x0], $0xffff  }
0x21b: {  	s11 =	sadd.s32 $0xCA00, s21;
	s12 =	sor.u32 $0x200, s15;
	v15 =	vor.u32 $0x300, v6;
	v16 =	vld.idx.msk [tilespmem:v22+s18+$0x0], $0xffff  }
0x21c: {  	v17 =	vor.u32 $0x80, v3;
	s21 =	sor.u32 s24, s11;
	[tilespmem:s12+$0xCA00] =	vst v12;
	v19 =	vld.idx.msk [tilespmem:v11+s18+$0x0], $0xffff  }
0x21d: {  	s22 =	sor.u32 $0x280, s10;
	v20 =	vor.u32 $0x80, v22;
	[tilespmem:s21+$0x0] =	vst v18;
	v23 =	vld.idx.msk [tilespmem:v8+s18+$0x0], $0xffff  }
0x21e: {  	s6 =	sor.u32 s25, s11;
	v8 =	vor.u32 $0x80, v11;
	v12 =	vld.idx.msk [tilespmem:v13+s18+$0x0], $0xffff;
	[tilespmem:s22+$0xCA00] =	vst v10  }
0x21f: {  	s23 =	sor.u32 $0x280, s13;
	v10 =	vor.u32 $0x300, v5;
	[tilespmem:s6+$0x0] =	vst v14;
	v9 =	vld.idx.msk [tilespmem:v9+s18+$0x0], $0xffff  }
0x220: {  	s24 =	sor.u32 s29, s11;
	v14 =	vor.u32 $0x300, v4;
	v13 =	vld.idx.msk [tilespmem:v15+s18+$0x0], $0xffff;
	[tilespmem:s23+$0xCA00] =	vst v7  }
0x221: {  	s0 =	sor.u32 s30, s11;
	v6 =	vor.u32 $0x380, v6;
	v17 =	vld.idx.msk [tilespmem:v17+s18+$0x0], $0xffff;
	[tilespmem:s24+$0x0] =	vst v16  }
0x222: {  	s25 =	sor.u32 $0x280, s15;
	v18 =	vor.u32 $0x100, v3;
	v16 =	vld.idx.msk [tilespmem:v20+s18+$0x0], $0xffff;
	[tilespmem:s0+$0x0] =	vst v19  }
0x223: {  	s29 =	sor.u32 $0x280, s3;
	v19 =	vor.u32 $0x100, v2;
	[tilespmem:s25+$0xCA00] =	vst v12;
	v8 =	vld.idx.msk [tilespmem:v8+s18+$0x0], $0xffff  }
0x224: {  	s26 =	sor.u32 $0x300, s10;
	v7 =	vor.u32 $0x100, v22;
	[tilespmem:s29+$0xCA00] =	vst v23;
	v24 =	vld.idx.msk [tilespmem:v10+s18+$0x0], $0xffff  }
0x225: {  	v21 =	vor.u32 $0x100, v11;
	v15 =	vld.idx.msk [tilespmem:v14+s18+$0x0], $0xffff;
	[tilespmem:s26+$0xCA00] =	vst v13  }
0x226: {  	[tilespmem:s6+$0x80] =	vst v17;
	v17 =	vor.u32 $0x300, v1;
	v25 =	vld.idx.msk [tilespmem:v6+s18+$0x0], $0xffff  }
0x227: {  	v26 =	vor.u32 $0x380, v5;
	[tilespmem:s21+$0x80] =	vst v9;
	v20 =	vld.idx.msk [tilespmem:v18+s18+$0x0], $0xffff  }
0x228: {  	v5 =	vor.u32 $0x380, v22;
	v18 =	vld.idx.msk [tilespmem:v19+s18+$0x0], $0xffff;
	[tilespmem:s24+$0x80] =	vst v16  }
0x229: {  	v12 =	vor.u32 $0x200, v22;
	v23 =	vor.u32 $0x180, v3;
	v14 =	vor.u32 $0x180, v22;
	v19 =	vld.idx.msk [tilespmem:v7+s18+$0x0], $0xffff;
	[tilespmem:s0+$0x80] =	vst v8  }
0x22a: {  	s16 =	simm.s32 $0x4;
	s2 =	sor.u32 $0x300, s3;
	s30 =	sor.u32 $0x300, s13;
	v9 =	vor.u32 $0x280, v22;
	v7 =	vor.u32 $0x300, v22;
	v22 =	vor.u32 $0x180, v2;
	v21 =	vld.idx.msk [tilespmem:v21+s18+$0x0], $0xffff  }
0x22b: {  	s7 =	sor.u32 $0x380, s3;
	s1 =	sor.u32 $0x380, s10;
	s10 =	sor.u32 $0x380, s15;
	v4 =	vor.u32 $0x380, v4;
	v10 =	vor.u32 $0x200, v11;
	v13 =	vor.u32 $0x180, v11;
	[tilespmem:s30+$0xCA00] =	vst v24;
	v16 =	vld.idx.msk [tilespmem:v17+s18+$0x0], $0xffff  }
0x22c: {  	s3 =	simm.s32 $0x80;
	s17 =	sor.u32 $0x380, s13;
	s22 =	sor.u32 $0x300, s15;
	v6 =	vor.u32 $0x300, v11;
	v8 =	vor.u32 $0x280, v11;
	v11 =	vor.u32 $0x380, v11;
	v17 =	vld.idx.msk [tilespmem:v26+s18+$0x0], $0xffff;
	[tilespmem:s1+$0xCA00] =	vst v25  }
.LBB2_12:
0x22d: {  	v24 =	vld [tilespmem:s3+$0x0];
	[tilespmem:s6+$0x100] =	vst v20;
	s8 =	sadd.s32 $0x40, s8  }
0x22e: {  	s16 =	sadd.s32 $0x4, s16;
	s11 =	sand.u32 $0x40, s8;
	[tilespmem:s21+$0x100] =	vst v18;
	v18 =	vld.idx.msk [tilespmem:v23+s18+$0x0], $0xffff  }
0x22f: {  	s1 =	sand.u32 $0x780, s8;
	p1 =	slt.u32 s16, $0x7C;
	s12 =	sor.u32 $0x30, s11;
	v20 =	vld.idx.msk [tilespmem:v22+s18+$0x0], $0xffff;
	[tilespmem:s24+$0x100] =	vst v19  }
0x230: {  	s14 =	sor.u32 $0x10, s11;
	s13 =	sor.u32 $0x20, s11;
	v19 =	vor.u32 $0x200, v3;
	s4 =	sor.u32 s12, s1;
	v14 =	vld.idx.msk [tilespmem:v14+s18+$0x0], $0xffff;
	[tilespmem:s0+$0x100] =	vst v21  }
0x231: {  	v22 =	vor.u32 $0x200, v2;
	s15 =	sor.u32 s14, s1;
	s1 =	sor.u32 s13, s1;
	v21 =	vld [tilespmem:s4+$0x0];
	[tilespmem:s22+$0xCA00] =	vst v15  }
0x232: {  	v15 =	vld [tilespmem:s15+$0x0];
	[tilespmem:s2+$0xCA00] =	vst v16  }
0x233: {  	v16 =	vshll.u32 v24, $0x3;
	v23 =	vld [tilespmem:s1+$0x0];
	[tilespmem:s17+$0xCA00] =	vst v17  }
0x234: {  	v17 =	vand.u32 $0x7F, v24;
	v16 =	vand.u32 $0xFFFFFC00, v16;
	v13 =	vld.idx.msk [tilespmem:v13+s18+$0x0], $0xffff;
	[tilespmem:s6+$0x180] =	vst v18;
	v18 =	vor.u32 $0x380, v1;
	v1 =	vmovc v2  }
0x235: {  	p0 =	por !p0, !p0;
	s1 =	simm.s32 $0x1;
	v2 =	vor.u32 v17, v16;
	[tilespmem:s21+$0x180] =	vst v20;
	v16 =	vld.idx.msk [tilespmem:v19+s18+$0x0], $0xffff  }
0x236: {  	s1 =	simm.s32 @!p0 $0x0;
	v17 =	vshll.u32 v21, $0x3;
	v19 =	vld.idx.msk [tilespmem:v22+s18+$0x0], $0xffff;
	[tilespmem:s24+$0x180] =	vst v14  }
0x237: {  	s1 =	sshll.u32 s1, $0x6;
	v14 =	vand.u32 $0x7F, v21;
	v17 =	vand.u32 $0xFFFFFC00, v17;
	v20 =	vld.idx.msk [tilespmem:v12+s18+$0x0], $0xffff;
	v12 =	vor.u32 $0x280, v3  }
0x238: {  	s6 =	sadd.s32 s1, s9;
	v21 =	vshll.u32 v15, $0x3;
	v22 =	vshll.u32 v23, $0x3;
	v17 =	vor.u32 v14, v17;
	v24 =	vld.idx.msk [tilespmem:v4+s18+$0x0], $0xffff;
	v4 =	vmovc v11  }
0x239: {  	s17 =	sadd.s32 $0x10, s6;
	s21 =	sadd.s32 $0x20, s6;
	s15 =	sadd.s32 $0x30, s6;
	v11 =	vand.u32 $0x7F, v15;
	v14 =	vand.u32 $0xFFFFFC00, v21;
	v15 =	vand.u32 $0xFFFFFC00, v22;
	v18 =	vld.idx.msk [tilespmem:v18+s18+$0x0], $0xffff  }
0x23a: {  	s23 =	sor.u32 $0x200, s17;
	s1 =	sor.u32 $0x200, s15;
	v11 =	vor.u32 v11, v14;
	v14 =	vand.u32 $0x7F, v23;
	v22 =	vor.u32 $0x280, v1;
	v21 =	vld.idx.msk [tilespmem:v2+s18+$0x0], $0xffff;
	[tilespmem:s0+$0x180] =	vst v13;
	s0 =	sor.u32 $0x200, s21  }
0x23b: {  	s2 =	sor.u32 $0x200, s6;
	s26 =	sor.u32 $0x280, s17;
	s25 =	sor.u32 $0x280, s21;
	v23 =	vor.u32 $0x80, v11;
	v25 =	vor.u32 $0x100, v11;
	v15 =	vor.u32 v14, v15;
	v26 =	vld.idx.msk [tilespmem:v10+s18+$0x0], $0xffff;
	[tilespmem:s1+$0xCA00] =	vst v16  }
0x23c: {  	s4 =	sor.u32 $0x280, s6;
	s22 =	sor.u32 $0x300, s21;
	v14 =	vor.u32 $0x180, v11;
	v16 =	vor.u32 $0x80, v15;
	v27 =	vor.u32 $0x100, v15;
	s1 =	sor.u32 $0x300, s17;
	[tilespmem:s2+$0xCA00] =	vst v19;
	v19 =	vld.idx.msk [tilespmem:v12+s18+$0x0], $0xffff  }
0x23d: {  	s21 =	sor.u32 $0x380, s21;
	v13 =	vor.u32 $0x180, v15;
	v10 =	vor.u32 $0x200, v15;
	s17 =	sor.u32 $0x380, s17;
	v12 =	vor.u32 $0x200, v11;
	s2 =	sor.u32 $0x300, s6;
	v28 =	vld.idx.msk [tilespmem:v17+s18+$0x0], $0xffff;
	[tilespmem:s23+$0xCA00] =	vst v20  }
0x23e: {  	v30 =	vor.u32 $0x300, v3;
	s6 =	sor.u32 $0x380, s6;
	v20 =	vor.u32 $0x280, v15;
	v29 =	vld.idx.msk [tilespmem:v9+s18+$0x0], $0xffff;
	v9 =	vor.u32 $0x280, v11;
	[tilespmem:s10+$0xCA00] =	vst v24;
	s10 =	smov.u32 s21  }
0x23f: {  	s9 =	sadd.s32 $0x200, s9;
	v33 =	vor.u32 $0x80, v17;
	v31 =	vor.u32 $0x300, v11;
	v32 =	vor.u32 $0x300, v15;
	v24 =	vld.idx.msk [tilespmem:v11+s18+$0x0], $0xffff;
	[tilespmem:s7+$0xCA00] =	vst v18;
	s7 =	smov.u32 s6  }
0x240: {  	v34 =	vor.u32 $0x380, v11;
	s6 =	sand.u32 $0x3C00, s9;
	v18 =	vor.u32 $0x80, v2;
	v11 =	vor.u32 $0x380, v15;
	v35 =	vld.idx.msk [tilespmem:v15+s18+$0x0], $0xffff  }
0x241: {  	s23 =	sadd.s32 $0xCA00, s6;
	v36 =	vld.idx.msk [tilespmem:v22+s18+$0x0], $0xffff;
	[tilespmem:s0+$0xCA00] =	vst v26;
	s0 =	sor.u32 $0x280, s15  }
0x242: {  	s21 =	sor.u32 s11, s23;
	s24 =	sor.u32 s14, s23;
	s6 =	sor.u32 s12, s23;
	v15 =	vld.idx.msk [tilespmem:v8+s18+$0x0], $0xffff;
	[tilespmem:s0+$0xCA00] =	vst v19;
	v8 =	vmov v20  }
0x243: {  	s0 =	sor.u32 s13, s23;
	[tilespmem:s6+$0x0] =	vst v28;
	v19 =	vld.idx.msk [tilespmem:v30+s18+$0x0], $0xffff  }
0x244: {  	[tilespmem:s21+$0x0] =	vst v21;
	v20 =	vld.idx.msk [tilespmem:v33+s18+$0x0], $0xffff  }
0x245: {  	v21 =	vor.u32 $0x380, v3;
	v3 =	vmov v17;
	v18 =	vld.idx.msk [tilespmem:v18+s18+$0x0], $0xffff;
	[tilespmem:s24+$0x0] =	vst v24  }
0x246: {  	v22 =	vor.u32 $0x100, v3;
	v17 =	vld.idx.msk [tilespmem:v23+s18+$0x0], $0xffff;
	[tilespmem:s0+$0x0] =	vst v35  }
0x247: {  	v23 =	vor.u32 $0x100, v2;
	v16 =	vld.idx.msk [tilespmem:v16+s18+$0x0], $0xffff;
	[tilespmem:s26+$0xCA00] =	vst v29  }
0x248: {  	s11 =	sor.u32 $0x300, s15;
	v24 =	vld.idx.msk [tilespmem:v7+s18+$0x0], $0xffff;
	[tilespmem:s25+$0xCA00] =	vst v15;
	v7 =	vmov v31  }
0x249: {  	v15 =	vld.idx.msk [tilespmem:v6+s18+$0x0], $0xffff;
	[tilespmem:s11+$0xCA00] =	vst v19;
	v6 =	vmov v32  }
0x24a: {  	v26 =	vor.u32 $0x300, v1;
	[tilespmem:s6+$0x80] =	vst v20;
	v28 =	vld.idx.msk [tilespmem:v21+s18+$0x0], $0xffff  }
0x24b: {  	[tilespmem:s21+$0x80] =	vst v18;
	v20 =	vld.idx.msk [tilespmem:v22+s18+$0x0], $0xffff  }
.Ltmp5:
0x24c: {  	v18 =	vld.idx.msk [tilespmem:v23+s18+$0x0], $0xffff;
	[tilespmem:s24+$0x80] =	vst v17;
	(pc) =	sbr.rel @p1 .LBB2_12-.Ltmp5, $4  }
0x24d: {  	v23 =	vor.u32 $0x180, v3;
	v19 =	vld.idx.msk [tilespmem:v25+s18+$0x0], $0xffff;
	[tilespmem:s0+$0x80] =	vst v16  }
0x24e: {  	v22 =	vor.u32 $0x180, v2;
	v21 =	vld.idx.msk [tilespmem:v27+s18+$0x0], $0xffff;
	[tilespmem:s4+$0xCA00] =	vst v36  }
0x24f: {  	v16 =	vld.idx.msk [tilespmem:v26+s18+$0x0], $0xffff;
	[tilespmem:s1+$0xCA00] =	vst v24;
	s1 =	sor.u32 $0x380, s15  }
0x250: {  	s3 =	sadd.s32 $0x40, s3;
	v17 =	vld.idx.msk [tilespmem:v5+s18+$0x0], $0xffff;
	[tilespmem:s1+$0xCA00] =	vst v28;
	v5 =	vmov v34  }
0x251: {  	_ =	sdelay $0x2  }
0x252: {  	[tilespmem:s6+$0x100] =	vst v20  }
0x253: {  	[tilespmem:s21+$0x100] =	vst v18;
	v20 =	vld.idx.msk [tilespmem:v23+s18+$0x0], $0xffff  }
0x254: {  	v55 =	vor.u32 $0x200, v3;
	[tilespmem:s24+$0x100] =	vst v19;
	v18 =	vld.idx.msk [tilespmem:v22+s18+$0x0], $0xffff  }
0x255: {  	v56 =	vor.u32 $0x200, v2;
	v14 =	vld.idx.msk [tilespmem:v14+s18+$0x0], $0xffff;
	[tilespmem:s0+$0x100] =	vst v21  }
0x256: {  	v13 =	vld.idx.msk [tilespmem:v13+s18+$0x0], $0xffff;
	_ =	sdelay $0x1  }
0x257: {  	p0 =	por !p0, !p0;
	s1 =	simm.s32 $0x1;
	[tilespmem:s6+$0x180] =	vst v20  }
0x258: {  	s1 =	simm.s32 @!p0 $0x0;
	[tilespmem:s21+$0x180] =	vst v18;
	v19 =	vld.idx.msk [tilespmem:v55+s18+$0x0], $0xffff  }
0x259: {  	v57 =	vor.u32 $0x280, v3;
	s1 =	sshll.u32 s1, $0x6;
	[tilespmem:s24+$0x180] =	vst v14;
	v58 =	vld.idx.msk [tilespmem:v56+s18+$0x0], $0xffff  }
0x25a: {  	v59 =	vor.u32 $0x280, v2;
	s25 =	sadd.s32 s1, s9;
	v12 =	vld.idx.msk [tilespmem:v12+s18+$0x0], $0xffff;
	[tilespmem:s0+$0x180] =	vst v13  }
0x25b: {  	s1 =	sadd.s32 $0x30, s25;
	v10 =	vld.idx.msk [tilespmem:v10+s18+$0x0], $0xffff  }
0x25c: {  	s4 =	sor.u32 $0x200, s1  }
0x25d: {  	s3 =	sadd.s32 $0x10, s25;
	s30 =	sor.u32 $0x200, s25;
	[tilespmem:s4+$0xCA00] =	vst v19  }
0x25e: {  	s26 =	sadd.s32 $0x20, s25;
	s8 =	sor.u32 $0x200, s3;
	[tilespmem:s30+$0xCA00] =	vst v58;
	v14 =	vld.idx.msk [tilespmem:v57+s18+$0x0], $0xffff  }
0x25f: {  	v60 =	vor.u32 $0x300, v3;
	s29 =	sor.u32 $0x200, s26;
	[tilespmem:s8+$0xCA00] =	vst v12;
	v61 =	vld.idx.msk [tilespmem:v59+s18+$0x0], $0xffff  }
0x260: {  	v62 =	vor.u32 $0x300, v2;
	v9 =	vld.idx.msk [tilespmem:v9+s18+$0x0], $0xffff;
	[tilespmem:s29+$0xCA00] =	vst v10  }
0x261: {  	v8 =	vld.idx.msk [tilespmem:v8+s18+$0x0], $0xffff  }
0x262: {  	[tilespmem:s22+$0xCA00] =	vst v15;
	s9 =	sor.u32 $0x280, s1  }
0x263: {  	s13 =	sor.u32 $0x280, s25;
	[tilespmem:s9+$0xCA00] =	vst v14  }
0x264: {  	v1 =	vor.u32 $0x380, v1;
	s11 =	sor.u32 $0x280, s3;
	[tilespmem:s13+$0xCA00] =	vst v61;
	v12 =	vld.idx.msk [tilespmem:v60+s18+$0x0], $0xffff  }
0x265: {  	v3 =	vor.u32 $0x380, v3;
	s12 =	sor.u32 $0x280, s26;
	[tilespmem:s11+$0xCA00] =	vst v9;
	v63 =	vld.idx.msk [tilespmem:v62+s18+$0x0], $0xffff  }
0x266: {  	v2 =	vor.u32 $0x380, v2;
	v7 =	vld.idx.msk [tilespmem:v7+s18+$0x0], $0xffff;
	[tilespmem:s12+$0xCA00] =	vst v8  }
0x267: {  	[tilespmem:s2+$0xCA00] =	vst v16;
	v6 =	vld.idx.msk [tilespmem:v6+s18+$0x0], $0xffff  }
0x268: {  	v4 =	vld.idx.msk [tilespmem:v4+s18+$0x0], $0xffff;
	[tilespmem:s17+$0xCA00] =	vst v17;
	s14 =	sor.u32 $0x300, s1  }
0x269: {  	s17 =	sor.u32 $0x300, s25;
	v1 =	vld.idx.msk [tilespmem:v1+s18+$0x0], $0xffff;
	[tilespmem:s14+$0xCA00] =	vst v12  }
0x26a: {  	s15 =	sor.u32 $0x300, s3;
	[tilespmem:s17+$0xCA00] =	vst v63;
	v3 =	vld.idx.msk [tilespmem:v3+s18+$0x0], $0xffff  }
0x26b: {  	s16 =	sor.u32 $0x300, s26;
	[tilespmem:s15+$0xCA00] =	vst v7;
	v2 =	vld.idx.msk [tilespmem:v2+s18+$0x0], $0xffff  }
0x26c: {  	v5 =	vld.idx.msk [tilespmem:v5+s18+$0x0], $0xffff;
	[tilespmem:s16+$0xCA00] =	vst v6  }
0x26d: {  	[tilespmem:s10+$0xCA00] =	vst v4;
	v6 =	vld.idx.msk [tilespmem:v11+s18+$0x0], $0xffff  }
0x26e: {  	s1 =	sor.u32 $0x380, s1;
	[tilespmem:s7+$0xCA00] =	vst v1  }
0x26f: {  	s0 =	sor.u32 $0x380, s25;
	[tilespmem:s1+$0xCA00] =	vst v3  }
0x270: {  	s21 =	sor.u32 $0x380, s3;
	[tilespmem:s0+$0xCA00] =	vst v2  }
0x271: {  	s22 =	sor.u32 $0x380, s26;
	[tilespmem:s21+$0xCA00] =	vst v5  }
0x272: {  	s23 =	simm.s32 $0xCA00;
	[tilespmem:s22+$0xCA00] =	vst v6  }
0x273: {  	s24 =	simm.s32 $0x7;
	s4 =	simm.s32 $0x0;
	s0 =	rddreg [dreg:$0xf]  }
0x274: {  	[hbm4b:s0+s4] =	stream.linear.scatter [tilespmem:s23], [sflag:$0x4], $0x4000, $0x38;
	[tilespmem:$0x18A00] =	vst v63  }
0x275: {  	_ =	swait.ge [sflag:s24], $0x200  }
0x276: {  	[sflag:s24] =	ssyncset.done $0x0  }
0x277: {  	s25 =	simm.s32 $0x5;
	[sflag:s24] =	ssyncadd.s32 $0xFFFFFE00  }
0x278: {  	_ =	swait.ge [sflag:s25], $0x4000  }
0x279: {  	[sflag:s25] =	ssyncset.done $0x0  }
0x27a: {  	s26 =	simm.s32 $0x6;
	[sflag:s25] =	ssyncadd.s32 $0xFFFFC000  }
0x27b: {  	_ =	swait.ge [sflag:s26], $0x4000  }
0x27c: {  	[sflag:s26] =	ssyncset.done $0x0  }
0x27d: {  	[sflag:s26] =	ssyncadd.s32 $0xFFFFC000  }
0x27e: {  	_ =	swait.ge [sflag:s28], $0x4000  }
0x27f: {  	s29 =	rddreg [dreg:$0x11]  }
0x280: {  	s30 =	rddreg [dreg:$0x10];
	s1 =	sadd.s32 $0x1, s29  }
0x281: {  	p0 =	sne.s32 s1, s30  }
.Ltmp6:
0x282: {  	_ = 	snop;
	(pc) =	sbr.rel @p0 .LBB2_1-.Ltmp6, $3  }
0x283: {  	_ =	sdelay $0x1  }
0x284: {  	[sflag:s28] =	ssyncset.done $0x0  }
0x285: {  	[sflag:s28] =	ssyncadd.s32 $0xFFFFC000  }
0x286: {  	_ =	sfence.sel $0x180000  }
0x287: {  	[bflag:$0x0] =	sbarrier.arrive $0xFFFF  }
0x288: {  	_ =	strace $0x90000047  }
0x289: {  	s0 =	stileid.u32;
	[bflag:$0x2] =	sbarrier.arrive $0xFFFF  }
0x28a: {  	p0 =	sne.s32 s0, $0x0;
	s0 =	rddreg [dreg:$0x4]  }
0x28b: {  	s0 =	sadd.s32 @!p0 $0x100000, s0  }
0x28c: {  	[sflag:s0] =	ssyncadd.tile.s32 @!p0 $0x1;
	_ =	shalt  }
.Lfunc_end2:
_tile_overlayer_lowered:
.L_overlay_start_2:
0x28d: {  	(tag) =	ssettag $0x2  }
0x28e: {  	s0 =	rddreg [dreg:$0x0];
	s2 =	stileid.u32  }
0x28f: {  	s1 =	rddreg [dreg:$0x1];
	p0 =	sne.s32 s2, $0x0  }
0x290: {  	s3 =	rddreg [dreg:$0x2];
	[bflag:$0x3] =	sbarrier.arrive $0xFFFF;
	s2 =	simm.s32 @!p0 $0x1C08  }
0x291: {  	[timem:s3], [sflag:s2] =	dma.local @!p0 [hbm:s0], s1  }
0x292: {  	s0 =	simm.s32 @!p0 $0x8  }
0x293: {  	_ =	swait.ge @!p0 [sflag:s0], s1  }
0x294: {  	s1 =	ssub.s32 @!p0 $0x0, s1;
	[sflag:s0] =	ssyncset.done @!p0 $0x0  }
0x295: {  	[sflag:s0] =	ssyncadd.s32 @!p0 s1  }
0x296: {  	[bflag:$0x3] =	sbarrier.arrive $0xFFFF  }
0x297: {  	_ =	shalt  }

</sc_bundles>
